<compile_context>
chip_gen: v7x
topology: tpu7x:2x2x1
jax: 0.10.2.dev20260603
libtpu: 0.0.44.dev20260713+nightly
codegen_flags: <defaults>
</compile_context>

<pallas_src>
import functools

import jax
import jax.numpy as jnp
from jax import lax
from jax.experimental import pallas as pl
from jax.experimental.pallas import tpu as pltpu
from jax.experimental.pallas import tpu_sc as plsc


def kernel(x, scalar, vector_i, vector_j, vector_k):
    B, L = x.shape
    V, D = scalar.shape
    N = B * L
    T = 4
    CB = 128
    BB = B // 128

    info = plsc.get_sparse_core_info()
    NW = info.num_cores * info.num_subcores
    assert N % NW == 0 and B % CB == 0
    n_per_w = N // NW
    units_per_w = n_per_w // CB
    assert units_per_w % 2 == 0
    cb = B // CB

    x_lt = x.T.reshape(N).astype(jnp.int32)

    mesh = plsc.VectorSubcoreMesh(core_axis_name="c", subcore_axis_name="s")

    @functools.partial(
        pl.kernel,
        mesh=mesh,
        compiler_params=pltpu.CompilerParams(
            needs_layout_passes=False, use_tc_tiling_on_sc=False),
        out_type=jax.ShapeDtypeStruct((L, D, BB, T, 128), jnp.float32),
        scratch_types=[
            pltpu.VMEM((n_per_w,), jnp.int32),
            pltpu.VMEM((2, T, CB, D), jnp.float32),
            pltpu.VMEM((2, D, 1, T, 128), jnp.float32),
            pltpu.SemaphoreType.DMA,
            pltpu.SemaphoreType.DMA,
            pltpu.SemaphoreType.DMA,
            pltpu.SemaphoreType.DMA,
        ],
    )
    def sc_kernel(x_hbm, a_hbm, b_hbm, c_hbm, d_hbm, out_hbm,
                  idx_v, rows2, obuf2, sg0, sg1, so0, so1):
        wid = lax.axis_index("s") * info.num_cores + lax.axis_index("c")
        base = wid * n_per_w
        semg = (sg0, sg1)
        semo = (so0, so1)

        pltpu.sync_copy(x_hbm.at[pl.ds(base, n_per_w)], idx_v)

        lane = lax.broadcasted_iota(jnp.int32, (16,), 0)
        tabs = (a_hbm, b_hbm, c_hbm, d_hbm)
        d_vecs = [lane + 16 * h for h in range(D // 16)]
        t_splats = [jnp.full((16,), t, jnp.int32) for t in range(T)]
        zero16 = jnp.full((16,), 0, jnp.int32)

        def issue_gathers(j, s):
            idx_slice = idx_v.at[pl.ds(j * CB, CB)]
            for t in range(T):
                pltpu.async_copy(tabs[t].at[idx_slice], rows2.at[s, t],
                                 semg[s])

        def wait_gathers(s):
            idx_slice = idx_v.at[pl.ds(0, CB)]
            for t in range(T):
                pltpu.make_async_copy(tabs[t].at[idx_slice], rows2.at[s, t],
                                      semg[s]).wait()

        def out_slice(j):
            u = wid * units_per_w + j
            return out_hbm.at[u // cb, :, pl.ds(u % cb, 1), :, :]

        issue_gathers(0, 0)
        issue_gathers(1, 1)

        def pair_body(p, carry):
            for s in range(2):
                j = 2 * p + s
                wait_gathers(s)

                @pl.when(j >= 2)
                def _():
                    pltpu.make_async_copy(obuf2.at[s], out_slice(j),
                                          semo[s]).wait()

                @plsc.parallel_loop(0, CB, unroll=4)
                def _(i):
                    bi = jnp.full((16,), i, jnp.int32)
                    for t in range(T):
                        for h in range(D // 16):
                            vals = rows2[s, t, i, pl.ds(16 * h, 16)]
                            plsc.store_scatter(
                                obuf2.at[s],
                                [d_vecs[h], zero16, t_splats[t], bi], vals)

                pltpu.async_copy(obuf2.at[s], out_slice(j), semo[s])

                @pl.when(j + 2 < units_per_w)
                def _():
                    issue_gathers(j + 2, s)

            return carry

        lax.fori_loop(0, units_per_w // 2, pair_body, 0)

        for s in range(2):
            pltpu.make_async_copy(obuf2.at[s],
                                  out_slice(units_per_w - 2 + s),
                                  semo[s]).wait()

    out5 = sc_kernel(x_lt, scalar, vector_i, vector_j, vector_k)
    return out5.transpose(2, 4, 0, 1, 3).reshape(B, L, D, T)

# --- scband reference (transcript-rebuilt; emitter-appended) ---
"""Pipeline reference for scband-quaternion-embedding-7361573945754 (READ-ONLY COPY).

The authoritative reference and input builder live on the scoring server;
editing this copy changes nothing except your own understanding.
"""

import jax, jax.numpy as jnp
import numpy as np

VOCAB = 1000000
DIM = 32
B = 4096
L = 50

def setup_inputs(seed: int = 0) -> dict:
    key = jax.random.key(seed)
    k_x, k_s, k_i, k_j, k_k = jax.random.split(key, 5)
    x = jax.random.randint(k_x, (B, L), 0, VOCAB, dtype=jnp.int64 if jax.config.jax_enable_x64 else jnp.int32)
    scalar = jax.random.normal(k_s, (VOCAB, DIM), dtype=jnp.float32)
    vector_i = jax.random.normal(k_i, (VOCAB, DIM), dtype=jnp.float32)
    vector_j = jax.random.normal(k_j, (VOCAB, DIM), dtype=jnp.float32)
    vector_k = jax.random.normal(k_k, (VOCAB, DIM), dtype=jnp.float32)
    return {"x": x, "scalar": scalar, "vector_i": vector_i, "vector_j": vector_j, "vector_k": vector_k}

def reference(x, scalar, vector_i, vector_j, vector_k):
    a = jnp.take(scalar, x, axis=0)
    b = jnp.take(vector_i, x, axis=0)
    c = jnp.take(vector_j, x, axis=0)
    d = jnp.take(vector_k, x, axis=0)
    return jnp.stack([a, b, c, d], axis=-1)

if __name__ == "__main__":
    import jax
    _d = setup_inputs()
    print(jax.jit(kernel)(*tuple(_d.values())))

</pallas_src>

<mosaic_0001>
#map = affine_map<(d0, d1) -> (0)>
#map1 = affine_map<(d0, d1) -> (0, 0)>
#map2 = affine_map<(d0, d1) -> (0, 0, 0, 0, 0)>
module attributes {stable_mosaic.version = 14 : i64} {
  func.func @sc_kernel(%arg0: i32, %arg1: i32, %arg2: memref<204800xi32, #tpu.memory_space<hbm>>, %arg3: memref<1000000x32xf32, #tpu.memory_space<hbm>>, %arg4: memref<1000000x32xf32, #tpu.memory_space<hbm>>, %arg5: memref<1000000x32xf32, #tpu.memory_space<hbm>>, %arg6: memref<1000000x32xf32, #tpu.memory_space<hbm>>, %arg7: memref<50x32x32x4x128xf32, #tpu.memory_space<hbm>>, %arg8: memref<6400xi32, #tpu.memory_space<vmem>>, %arg9: memref<2x4x128x32xf32, #tpu.memory_space<vmem>>, %arg10: memref<2x32x1x4x128xf32, #tpu.memory_space<vmem>>, %arg11: memref<!tpu.dma_semaphore, #tpu.memory_space<semaphore_mem>>, %arg12: memref<!tpu.dma_semaphore, #tpu.memory_space<semaphore_mem>>, %arg13: memref<!tpu.dma_semaphore, #tpu.memory_space<semaphore_mem>>, %arg14: memref<!tpu.dma_semaphore, #tpu.memory_space<semaphore_mem>>) attributes {dimension_semantics = [#tpu.dimension_semantics<core_parallel>, #tpu.dimension_semantics<subcore_parallel>], iteration_bounds = array<i64: 2, 16>, scalar_prefetch = 0 : i64, scratch_operands = 7 : i64, tpu.core_type = #tpu.core_type<sc_vector_subcore>, window_params = [{transform_indices = #map}, {transform_indices = #map1}, {transform_indices = #map1}, {transform_indices = #map1}, {transform_indices = #map1}, {transform_indices = #map2}]} {
    %mul3A = arith.constant 2 : i32
    %mul3A_0 = arith.muli %arg1, %mul3A : i32
    %add3A = arith.addi %mul3A_0, %arg0 : i32
    %mul3A_1 = arith.constant 6400 : i32
    %mul3A_2 = arith.muli %add3A, %mul3A_1 : i32
    "tpu.region"() ({
      %run_scoped3A = tpu.sem_alloc : memref<!tpu.dma_semaphore, #tpu.memory_space<semaphore_mem>>
      %dma_start3A_233 = tpu.memref_slice %arg2[%mul3A_2] : memref<204800xi32, #tpu.memory_space<hbm>> -> memref<6400xi32, #tpu.memory_space<hbm>>
      %dma_start3A_234 = tpu.memref_slice %arg2[%mul3A_2] : memref<204800xi32, #tpu.memory_space<hbm>> -> memref<6400xi32, #tpu.memory_space<hbm>>
      tpu.enqueue_dma source(%dma_start3A_234 : memref<6400xi32, #tpu.memory_space<hbm>>) target(%arg8 : memref<6400xi32, #tpu.memory_space<vmem>>) target_semaphore(%run_scoped3A : memref<!tpu.dma_semaphore, #tpu.memory_space<semaphore_mem>>)
      %dma_wait3A_235 = tpu.memref_slice %arg2[%mul3A_2] : memref<204800xi32, #tpu.memory_space<hbm>> -> memref<6400xi32, #tpu.memory_space<hbm>>
      %dma_wait3A_236 = tpu.memref_slice %arg2[%mul3A_2] : memref<204800xi32, #tpu.memory_space<hbm>> -> memref<6400xi32, #tpu.memory_space<hbm>>
      tpu.wait_dma2 semaphore(%run_scoped3A : memref<!tpu.dma_semaphore, #tpu.memory_space<semaphore_mem>>) src(%dma_wait3A_236 : memref<6400xi32, #tpu.memory_space<hbm>>) dst(%arg8 : memref<6400xi32, #tpu.memory_space<vmem>>)
      tpu.yield
    }) : () -> ()
    %iota3A = tpu.iota {dimensions = array<i32: 0>} : vector<16xi32>
    %add3A_3 = arith.constant 0 : i32
    %add3A_4 = vector.broadcast %add3A_3 : i32 to vector<16xi32>
    %add3A_5 = arith.addi %iota3A, %add3A_4 : vector<16xi32>
    %add3A_6 = arith.constant 16 : i32
    %add3A_7 = vector.broadcast %add3A_6 : i32 to vector<16xi32>
    %add3A_8 = arith.addi %iota3A, %add3A_7 : vector<16xi32>
    %broadcast_in_dim3A = arith.constant 0 : i32
    %broadcast_in_dim3A_9 = vector.broadcast %broadcast_in_dim3A : i32 to vector<16xi32>
    %broadcast_in_dim3A_10 = arith.constant 1 : i32
    %broadcast_in_dim3A_11 = vector.broadcast %broadcast_in_dim3A_10 : i32 to vector<16xi32>
    %broadcast_in_dim3A_12 = arith.constant 2 : i32
    %broadcast_in_dim3A_13 = vector.broadcast %broadcast_in_dim3A_12 : i32 to vector<16xi32>
    %broadcast_in_dim3A_14 = arith.constant 3 : i32
    %broadcast_in_dim3A_15 = vector.broadcast %broadcast_in_dim3A_14 : i32 to vector<16xi32>
    %broadcast_in_dim3A_16 = arith.constant 0 : i32
    %broadcast_in_dim3A_17 = vector.broadcast %broadcast_in_dim3A_16 : i32 to vector<16xi32>
    %dma_start3A = arith.constant 0 : i32
    %dma_start3A_18 = arith.constant 0 : i32
    %dma_start3A_19 = arith.constant 0 : i32
    %dma_start3A_20 = arith.constant 0 : i32
    %dma_start3A_21 = tpu.memref_slice %arg9[%dma_start3A, %dma_start3A_18, %dma_start3A_19, %dma_start3A_20] : memref<2x4x128x32xf32, #tpu.memory_space<vmem>> -> memref<1x1x128x32xf32, #tpu.memory_space<vmem>>
    %dma_start3A_22 = tpu.memref_squeeze %dma_start3A_21 : memref<1x1x128x32xf32, #tpu.memory_space<vmem>> -> memref<128x32xf32, #tpu.memory_space<vmem>>
    %dma_start3A_23 = arith.constant 0 : i32
    %dma_start3A_24 = tpu.memref_slice %arg8[%dma_start3A_23] : memref<6400xi32, #tpu.memory_space<vmem>> -> memref<128xi32, #tpu.memory_space<vmem>>
    %dma_start3A_25 = arith.constant 0 : i32
    %dma_start3A_26 = arith.constant 0 : i32
    %dma_start3A_27 = tpu.memref_slice %arg3[%dma_start3A_25, %dma_start3A_26] : memref<1000000x32xf32, #tpu.memory_space<hbm>> -> memref<1000000x32xf32, #tpu.memory_space<hbm>>
    tpu.enqueue_indirect_dma source(%dma_start3A_27 : memref<1000000x32xf32, #tpu.memory_space<hbm>>) target(%dma_start3A_22 : memref<128x32xf32, #tpu.memory_space<vmem>>) offsets(%dma_start3A_24 : memref<128xi32, #tpu.memory_space<vmem>>) semaphore(%arg11 : memref<!tpu.dma_semaphore, #tpu.memory_space<semaphore_mem>>)
    %dma_start3A_28 = arith.constant 0 : i32
    %dma_start3A_29 = arith.constant 1 : i32
    %dma_start3A_30 = arith.constant 0 : i32
    %dma_start3A_31 = arith.constant 0 : i32
    %dma_start3A_32 = tpu.memref_slice %arg9[%dma_start3A_28, %dma_start3A_29, %dma_start3A_30, %dma_start3A_31] : memref<2x4x128x32xf32, #tpu.memory_space<vmem>> -> memref<1x1x128x32xf32, #tpu.memory_space<vmem>>
    %dma_start3A_33 = tpu.memref_squeeze %dma_start3A_32 : memref<1x1x128x32xf32, #tpu.memory_space<vmem>> -> memref<128x32xf32, #tpu.memory_space<vmem>>
    %dma_start3A_34 = arith.constant 0 : i32
    %dma_start3A_35 = tpu.memref_slice %arg8[%dma_start3A_34] : memref<6400xi32, #tpu.memory_space<vmem>> -> memref<128xi32, #tpu.memory_space<vmem>>
    %dma_start3A_36 = arith.constant 0 : i32
    %dma_start3A_37 = arith.constant 0 : i32
    %dma_start3A_38 = tpu.memref_slice %arg4[%dma_start3A_36, %dma_start3A_37] : memref<1000000x32xf32, #tpu.memory_space<hbm>> -> memref<1000000x32xf32, #tpu.memory_space<hbm>>
    tpu.enqueue_indirect_dma source(%dma_start3A_38 : memref<1000000x32xf32, #tpu.memory_space<hbm>>) target(%dma_start3A_33 : memref<128x32xf32, #tpu.memory_space<vmem>>) offsets(%dma_start3A_35 : memref<128xi32, #tpu.memory_space<vmem>>) semaphore(%arg11 : memref<!tpu.dma_semaphore, #tpu.memory_space<semaphore_mem>>)
    %dma_start3A_39 = arith.constant 0 : i32
    %dma_start3A_40 = arith.constant 2 : i32
    %dma_start3A_41 = arith.constant 0 : i32
    %dma_start3A_42 = arith.constant 0 : i32
    %dma_start3A_43 = tpu.memref_slice %arg9[%dma_start3A_39, %dma_start3A_40, %dma_start3A_41, %dma_start3A_42] : memref<2x4x128x32xf32, #tpu.memory_space<vmem>> -> memref<1x1x128x32xf32, #tpu.memory_space<vmem>>
    %dma_start3A_44 = tpu.memref_squeeze %dma_start3A_43 : memref<1x1x128x32xf32, #tpu.memory_space<vmem>> -> memref<128x32xf32, #tpu.memory_space<vmem>>
    %dma_start3A_45 = arith.constant 0 : i32
    %dma_start3A_46 = tpu.memref_slice %arg8[%dma_start3A_45] : memref<6400xi32, #tpu.memory_space<vmem>> -> memref<128xi32, #tpu.memory_space<vmem>>
    %dma_start3A_47 = arith.constant 0 : i32
    %dma_start3A_48 = arith.constant 0 : i32
    %dma_start3A_49 = tpu.memref_slice %arg5[%dma_start3A_47, %dma_start3A_48] : memref<1000000x32xf32, #tpu.memory_space<hbm>> -> memref<1000000x32xf32, #tpu.memory_space<hbm>>
    tpu.enqueue_indirect_dma source(%dma_start3A_49 : memref<1000000x32xf32, #tpu.memory_space<hbm>>) target(%dma_start3A_44 : memref<128x32xf32, #tpu.memory_space<vmem>>) offsets(%dma_start3A_46 : memref<128xi32, #tpu.memory_space<vmem>>) semaphore(%arg11 : memref<!tpu.dma_semaphore, #tpu.memory_space<semaphore_mem>>)
    %dma_start3A_50 = arith.constant 0 : i32
    %dma_start3A_51 = arith.constant 3 : i32
    %dma_start3A_52 = arith.constant 0 : i32
    %dma_start3A_53 = arith.constant 0 : i32
    %dma_start3A_54 = tpu.memref_slice %arg9[%dma_start3A_50, %dma_start3A_51, %dma_start3A_52, %dma_start3A_53] : memref<2x4x128x32xf32, #tpu.memory_space<vmem>> -> memref<1x1x128x32xf32, #tpu.memory_space<vmem>>
    %dma_start3A_55 = tpu.memref_squeeze %dma_start3A_54 : memref<1x1x128x32xf32, #tpu.memory_space<vmem>> -> memref<128x32xf32, #tpu.memory_space<vmem>>
    %dma_start3A_56 = arith.constant 0 : i32
    %dma_start3A_57 = tpu.memref_slice %arg8[%dma_start3A_56] : memref<6400xi32, #tpu.memory_space<vmem>> -> memref<128xi32, #tpu.memory_space<vmem>>
    %dma_start3A_58 = arith.constant 0 : i32
    %dma_start3A_59 = arith.constant 0 : i32
    %dma_start3A_60 = tpu.memref_slice %arg6[%dma_start3A_58, %dma_start3A_59] : memref<1000000x32xf32, #tpu.memory_space<hbm>> -> memref<1000000x32xf32, #tpu.memory_space<hbm>>
    tpu.enqueue_indirect_dma source(%dma_start3A_60 : memref<1000000x32xf32, #tpu.memory_space<hbm>>) target(%dma_start3A_55 : memref<128x32xf32, #tpu.memory_space<vmem>>) offsets(%dma_start3A_57 : memref<128xi32, #tpu.memory_space<vmem>>) semaphore(%arg11 : memref<!tpu.dma_semaphore, #tpu.memory_space<semaphore_mem>>)
    %dma_start3A_61 = arith.constant 1 : i32
    %dma_start3A_62 = arith.constant 0 : i32
    %dma_start3A_63 = arith.constant 0 : i32
    %dma_start3A_64 = arith.constant 0 : i32
    %dma_start3A_65 = tpu.memref_slice %arg9[%dma_start3A_61, %dma_start3A_62, %dma_start3A_63, %dma_start3A_64] : memref<2x4x128x32xf32, #tpu.memory_space<vmem>> -> memref<1x1x128x32xf32, #tpu.memory_space<vmem>>
    %dma_start3A_66 = tpu.memref_squeeze %dma_start3A_65 : memref<1x1x128x32xf32, #tpu.memory_space<vmem>> -> memref<128x32xf32, #tpu.memory_space<vmem>>
    %dma_start3A_67 = arith.constant 128 : i32
    %dma_start3A_68 = tpu.memref_slice %arg8[%dma_start3A_67] : memref<6400xi32, #tpu.memory_space<vmem>> -> memref<128xi32, #tpu.memory_space<vmem>>
    %dma_start3A_69 = arith.constant 0 : i32
    %dma_start3A_70 = arith.constant 0 : i32
    %dma_start3A_71 = tpu.memref_slice %arg3[%dma_start3A_69, %dma_start3A_70] : memref<1000000x32xf32, #tpu.memory_space<hbm>> -> memref<1000000x32xf32, #tpu.memory_space<hbm>>
    tpu.enqueue_indirect_dma source(%dma_start3A_71 : memref<1000000x32xf32, #tpu.memory_space<hbm>>) target(%dma_start3A_66 : memref<128x32xf32, #tpu.memory_space<vmem>>) offsets(%dma_start3A_68 : memref<128xi32, #tpu.memory_space<vmem>>) semaphore(%arg12 : memref<!tpu.dma_semaphore, #tpu.memory_space<semaphore_mem>>)
    %dma_start3A_72 = arith.constant 1 : i32
    %dma_start3A_73 = arith.constant 1 : i32
    %dma_start3A_74 = arith.constant 0 : i32
    %dma_start3A_75 = arith.constant 0 : i32
    %dma_start3A_76 = tpu.memref_slice %arg9[%dma_start3A_72, %dma_start3A_73, %dma_start3A_74, %dma_start3A_75] : memref<2x4x128x32xf32, #tpu.memory_space<vmem>> -> memref<1x1x128x32xf32, #tpu.memory_space<vmem>>
    %dma_start3A_77 = tpu.memref_squeeze %dma_start3A_76 : memref<1x1x128x32xf32, #tpu.memory_space<vmem>> -> memref<128x32xf32, #tpu.memory_space<vmem>>
    %dma_start3A_78 = arith.constant 128 : i32
    %dma_start3A_79 = tpu.memref_slice %arg8[%dma_start3A_78] : memref<6400xi32, #tpu.memory_space<vmem>> -> memref<128xi32, #tpu.memory_space<vmem>>
    %dma_start3A_80 = arith.constant 0 : i32
    %dma_start3A_81 = arith.constant 0 : i32
    %dma_start3A_82 = tpu.memref_slice %arg4[%dma_start3A_80, %dma_start3A_81] : memref<1000000x32xf32, #tpu.memory_space<hbm>> -> memref<1000000x32xf32, #tpu.memory_space<hbm>>
    tpu.enqueue_indirect_dma source(%dma_start3A_82 : memref<1000000x32xf32, #tpu.memory_space<hbm>>) target(%dma_start3A_77 : memref<128x32xf32, #tpu.memory_space<vmem>>) offsets(%dma_start3A_79 : memref<128xi32, #tpu.memory_space<vmem>>) semaphore(%arg12 : memref<!tpu.dma_semaphore, #tpu.memory_space<semaphore_mem>>)
    %dma_start3A_83 = arith.constant 1 : i32
    %dma_start3A_84 = arith.constant 2 : i32
    %dma_start3A_85 = arith.constant 0 : i32
    %dma_start3A_86 = arith.constant 0 : i32
    %dma_start3A_87 = tpu.memref_slice %arg9[%dma_start3A_83, %dma_start3A_84, %dma_start3A_85, %dma_start3A_86] : memref<2x4x128x32xf32, #tpu.memory_space<vmem>> -> memref<1x1x128x32xf32, #tpu.memory_space<vmem>>
    %dma_start3A_88 = tpu.memref_squeeze %dma_start3A_87 : memref<1x1x128x32xf32, #tpu.memory_space<vmem>> -> memref<128x32xf32, #tpu.memory_space<vmem>>
    %dma_start3A_89 = arith.constant 128 : i32
    %dma_start3A_90 = tpu.memref_slice %arg8[%dma_start3A_89] : memref<6400xi32, #tpu.memory_space<vmem>> -> memref<128xi32, #tpu.memory_space<vmem>>
    %dma_start3A_91 = arith.constant 0 : i32
    %dma_start3A_92 = arith.constant 0 : i32
    %dma_start3A_93 = tpu.memref_slice %arg5[%dma_start3A_91, %dma_start3A_92] : memref<1000000x32xf32, #tpu.memory_space<hbm>> -> memref<1000000x32xf32, #tpu.memory_space<hbm>>
    tpu.enqueue_indirect_dma source(%dma_start3A_93 : memref<1000000x32xf32, #tpu.memory_space<hbm>>) target(%dma_start3A_88 : memref<128x32xf32, #tpu.memory_space<vmem>>) offsets(%dma_start3A_90 : memref<128xi32, #tpu.memory_space<vmem>>) semaphore(%arg12 : memref<!tpu.dma_semaphore, #tpu.memory_space<semaphore_mem>>)
    %dma_start3A_94 = arith.constant 1 : i32
    %dma_start3A_95 = arith.constant 3 : i32
    %dma_start3A_96 = arith.constant 0 : i32
    %dma_start3A_97 = arith.constant 0 : i32
    %dma_start3A_98 = tpu.memref_slice %arg9[%dma_start3A_94, %dma_start3A_95, %dma_start3A_96, %dma_start3A_97] : memref<2x4x128x32xf32, #tpu.memory_space<vmem>> -> memref<1x1x128x32xf32, #tpu.memory_space<vmem>>
    %dma_start3A_99 = tpu.memref_squeeze %dma_start3A_98 : memref<1x1x128x32xf32, #tpu.memory_space<vmem>> -> memref<128x32xf32, #tpu.memory_space<vmem>>
    %dma_start3A_100 = arith.constant 128 : i32
    %dma_start3A_101 = tpu.memref_slice %arg8[%dma_start3A_100] : memref<6400xi32, #tpu.memory_space<vmem>> -> memref<128xi32, #tpu.memory_space<vmem>>
    %dma_start3A_102 = arith.constant 0 : i32
    %dma_start3A_103 = arith.constant 0 : i32
    %dma_start3A_104 = tpu.memref_slice %arg6[%dma_start3A_102, %dma_start3A_103] : memref<1000000x32xf32, #tpu.memory_space<hbm>> -> memref<1000000x32xf32, #tpu.memory_space<hbm>>
    tpu.enqueue_indirect_dma source(%dma_start3A_104 : memref<1000000x32xf32, #tpu.memory_space<hbm>>) target(%dma_start3A_99 : memref<128x32xf32, #tpu.memory_space<vmem>>) offsets(%dma_start3A_101 : memref<128xi32, #tpu.memory_space<vmem>>) semaphore(%arg12 : memref<!tpu.dma_semaphore, #tpu.memory_space<semaphore_mem>>)
    %scan3A = arith.constant 0 : i32
    %scan3A_105 = arith.constant 0 : i32
    %scan3A_106 = arith.constant 25 : i32
    %scan3A_107 = arith.addi %scan3A_105, %scan3A_106 : i32
    %scan3A_108 = arith.constant 1 : i32
    scf.for %scan3A_233 = %scan3A_105 to %scan3A_107 step %scan3A_108  : i32 {
      %mul3A_234 = arith.constant 2 : i32
      %mul3A_235 = arith.muli %mul3A_234, %scan3A_233 : i32
      %add3A_236 = arith.constant 0 : i32
      %add3A_237 = arith.addi %mul3A_235, %add3A_236 : i32
      %dma_wait3A_238 = arith.constant 0 : i32
      %dma_wait3A_239 = arith.constant 0 : i32
      %dma_wait3A_240 = arith.constant 0 : i32
      %dma_wait3A_241 = arith.constant 0 : i32
      %dma_wait3A_242 = tpu.memref_slice %arg9[%dma_wait3A_238, %dma_wait3A_239, %dma_wait3A_240, %dma_wait3A_241] : memref<2x4x128x32xf32, #tpu.memory_space<vmem>> -> memref<1x1x128x32xf32, #tpu.memory_space<vmem>>
      %dma_wait3A_243 = tpu.memref_squeeze %dma_wait3A_242 : memref<1x1x128x32xf32, #tpu.memory_space<vmem>> -> memref<128x32xf32, #tpu.memory_space<vmem>>
      %dma_wait3A_244 = arith.constant 0 : i32
      %dma_wait3A_245 = tpu.memref_slice %arg8[%dma_wait3A_244] : memref<6400xi32, #tpu.memory_space<vmem>> -> memref<128xi32, #tpu.memory_space<vmem>>
      %dma_wait3A_246 = arith.constant 0 : i32
      %dma_wait3A_247 = arith.constant 0 : i32
      %dma_wait3A_248 = tpu.memref_slice %arg3[%dma_wait3A_246, %dma_wait3A_247] : memref<1000000x32xf32, #tpu.memory_space<hbm>> -> memref<1000000x32xf32, #tpu.memory_space<hbm>>
      tpu.wait_indirect_dma semaphore(%arg11 : memref<!tpu.dma_semaphore, #tpu.memory_space<semaphore_mem>>) src(%dma_wait3A_248 : memref<1000000x32xf32, #tpu.memory_space<hbm>>) dst(%dma_wait3A_243 : memref<128x32xf32, #tpu.memory_space<vmem>>)
      %dma_wait3A_249 = arith.constant 0 : i32
      %dma_wait3A_250 = arith.constant 1 : i32
      %dma_wait3A_251 = arith.constant 0 : i32
      %dma_wait3A_252 = arith.constant 0 : i32
      %dma_wait3A_253 = tpu.memref_slice %arg9[%dma_wait3A_249, %dma_wait3A_250, %dma_wait3A_251, %dma_wait3A_252] : memref<2x4x128x32xf32, #tpu.memory_space<vmem>> -> memref<1x1x128x32xf32, #tpu.memory_space<vmem>>
      %dma_wait3A_254 = tpu.memref_squeeze %dma_wait3A_253 : memref<1x1x128x32xf32, #tpu.memory_space<vmem>> -> memref<128x32xf32, #tpu.memory_space<vmem>>
      %dma_wait3A_255 = arith.constant 0 : i32
      %dma_wait3A_256 = tpu.memref_slice %arg8[%dma_wait3A_255] : memref<6400xi32, #tpu.memory_space<vmem>> -> memref<128xi32, #tpu.memory_space<vmem>>
      %dma_wait3A_257 = arith.constant 0 : i32
      %dma_wait3A_258 = arith.constant 0 : i32
      %dma_wait3A_259 = tpu.memref_slice %arg4[%dma_wait3A_257, %dma_wait3A_258] : memref<1000000x32xf32, #tpu.memory_space<hbm>> -> memref<1000000x32xf32, #tpu.memory_space<hbm>>
      tpu.wait_indirect_dma semaphore(%arg11 : memref<!tpu.dma_semaphore, #tpu.memory_space<semaphore_mem>>) src(%dma_wait3A_259 : memref<1000000x32xf32, #tpu.memory_space<hbm>>) dst(%dma_wait3A_254 : memref<128x32xf32, #tpu.memory_space<vmem>>)
      %dma_wait3A_260 = arith.constant 0 : i32
      %dma_wait3A_261 = arith.constant 2 : i32
      %dma_wait3A_262 = arith.constant 0 : i32
      %dma_wait3A_263 = arith.constant 0 : i32
      %dma_wait3A_264 = tpu.memref_slice %arg9[%dma_wait3A_260, %dma_wait3A_261, %dma_wait3A_262, %dma_wait3A_263] : memref<2x4x128x32xf32, #tpu.memory_space<vmem>> -> memref<1x1x128x32xf32, #tpu.memory_space<vmem>>
      %dma_wait3A_265 = tpu.memref_squeeze %dma_wait3A_264 : memref<1x1x128x32xf32, #tpu.memory_space<vmem>> -> memref<128x32xf32, #tpu.memory_space<vmem>>
      %dma_wait3A_266 = arith.constant 0 : i32
      %dma_wait3A_267 = tpu.memref_slice %arg8[%dma_wait3A_266] : memref<6400xi32, #tpu.memory_space<vmem>> -> memref<128xi32, #tpu.memory_space<vmem>>
      %dma_wait3A_268 = arith.constant 0 : i32
      %dma_wait3A_269 = arith.constant 0 : i32
      %dma_wait3A_270 = tpu.memref_slice %arg5[%dma_wait3A_268, %dma_wait3A_269] : memref<1000000x32xf32, #tpu.memory_space<hbm>> -> memref<1000000x32xf32, #tpu.memory_space<hbm>>
      tpu.wait_indirect_dma semaphore(%arg11 : memref<!tpu.dma_semaphore, #tpu.memory_space<semaphore_mem>>) src(%dma_wait3A_270 : memref<1000000x32xf32, #tpu.memory_space<hbm>>) dst(%dma_wait3A_265 : memref<128x32xf32, #tpu.memory_space<vmem>>)
      %dma_wait3A_271 = arith.constant 0 : i32
      %dma_wait3A_272 = arith.constant 3 : i32
      %dma_wait3A_273 = arith.constant 0 : i32
      %dma_wait3A_274 = arith.constant 0 : i32
      %dma_wait3A_275 = tpu.memref_slice %arg9[%dma_wait3A_271, %dma_wait3A_272, %dma_wait3A_273, %dma_wait3A_274] : memref<2x4x128x32xf32, #tpu.memory_space<vmem>> -> memref<1x1x128x32xf32, #tpu.memory_space<vmem>>
      %dma_wait3A_276 = tpu.memref_squeeze %dma_wait3A_275 : memref<1x1x128x32xf32, #tpu.memory_space<vmem>> -> memref<128x32xf32, #tpu.memory_space<vmem>>
      %dma_wait3A_277 = arith.constant 0 : i32
      %dma_wait3A_278 = tpu.memref_slice %arg8[%dma_wait3A_277] : memref<6400xi32, #tpu.memory_space<vmem>> -> memref<128xi32, #tpu.memory_space<vmem>>
      %dma_wait3A_279 = arith.constant 0 : i32
      %dma_wait3A_280 = arith.constant 0 : i32
      %dma_wait3A_281 = tpu.memref_slice %arg6[%dma_wait3A_279, %dma_wait3A_280] : memref<1000000x32xf32, #tpu.memory_space<hbm>> -> memref<1000000x32xf32, #tpu.memory_space<hbm>>
      tpu.wait_indirect_dma semaphore(%arg11 : memref<!tpu.dma_semaphore, #tpu.memory_space<semaphore_mem>>) src(%dma_wait3A_281 : memref<1000000x32xf32, #tpu.memory_space<hbm>>) dst(%dma_wait3A_276 : memref<128x32xf32, #tpu.memory_space<vmem>>)
      %ge3A = arith.constant 2 : i32
      %ge3A_282 = arith.cmpi sge, %add3A_237, %ge3A : i32
      %convert_element_type3A = arith.extui %ge3A_282 : i1 to i32
      %cond3A = arith.constant 0 : i32
      %cond3A_283 = arith.cmpi ne, %convert_element_type3A, %cond3A : i32
      scf.if %cond3A_283 {
        %mul3A_488 = arith.constant 50 : i32
        %mul3A_489 = arith.muli %add3A, %mul3A_488 : i32
        %add3A_490 = arith.addi %mul3A_489, %add3A_237 : i32
        %jit3A_491 = arith.constant 32 : i32
        %div3A_492 = arith.divsi %add3A_490, %jit3A_491 : i32
        %sign3A_493 = arith.constant 0 : i32
        %sign3A_494 = arith.cmpi sgt, %add3A_490, %sign3A_493 : i32
        %sign3A_495 = arith.extui %sign3A_494 : i1 to i32
        %sign3A_496 = arith.constant 0 : i32
        %sign3A_497 = arith.cmpi slt, %add3A_490, %sign3A_496 : i32
        %sign3A_498 = arith.extui %sign3A_497 : i1 to i32
        %sign3A_499 = arith.subi %sign3A_495, %sign3A_498 : i32
        %sign3A_500 = arith.constant 0 : i32
        %sign3A_501 = arith.cmpi sgt, %jit3A_491, %sign3A_500 : i32
        %sign3A_502 = arith.extui %sign3A_501 : i1 to i32
        %sign3A_503 = arith.constant 0 : i32
        %sign3A_504 = arith.cmpi slt, %jit3A_491, %sign3A_503 : i32
        %sign3A_505 = arith.extui %sign3A_504 : i1 to i32
        %sign3A_506 = arith.subi %sign3A_502, %sign3A_505 : i32
        %ne3A_507 = arith.cmpi ne, %sign3A_499, %sign3A_506 : i32
        %rem3A_508 = arith.remsi %add3A_490, %jit3A_491 : i32
        %ne3A_509 = arith.constant 0 : i32
        %ne3A_510 = arith.cmpi ne, %rem3A_508, %ne3A_509 : i32
        %and3A_511 = arith.andi %ne3A_507, %ne3A_510 : i1
        %sub3A_512 = arith.constant 1 : i32
        %sub3A_513 = arith.subi %div3A_492, %sub3A_512 : i32
        %select_n3A_514 = arith.select %and3A_511, %sub3A_513, %div3A_492 : i32
        %jit3A_515 = arith.constant 32 : i32
        %eq3A_516 = arith.constant 0 : i32
        %eq3A_517 = arith.cmpi eq, %jit3A_515, %eq3A_516 : i32
        %jit3A_518 = arith.constant 1 : i32
        %select_n3A_519 = arith.select %eq3A_517, %jit3A_518, %jit3A_515 : i32
        %rem3A_520 = arith.remsi %add3A_490, %select_n3A_519 : i32
        %ne3A_521 = arith.constant 0 : i32
        %ne3A_522 = arith.cmpi ne, %rem3A_520, %ne3A_521 : i32
        %lt3A_523 = arith.constant 0 : i32
        %lt3A_524 = arith.cmpi slt, %rem3A_520, %lt3A_523 : i32
        %lt3A_525 = arith.constant 0 : i32
        %lt3A_526 = arith.cmpi slt, %select_n3A_519, %lt3A_525 : i32
        %ne3A_527 = arith.xori %lt3A_524, %lt3A_526 : i1
        %and3A_528 = arith.andi %ne3A_527, %ne3A_522 : i1
        %add3A_529 = arith.addi %rem3A_520, %select_n3A_519 : i32
        %select_n3A_530 = arith.select %and3A_528, %add3A_529, %rem3A_520 : i32
        %dma_wait3A_531 = arith.constant 0 : i32
        %dma_wait3A_532 = arith.constant 0 : i32
        %dma_wait3A_533 = arith.constant 0 : i32
        %dma_wait3A_534 = arith.constant 0 : i32
        %dma_wait3A_535 = arith.constant 0 : i32
        %dma_wait3A_536 = tpu.memref_slice %arg10[%dma_wait3A_531, %dma_wait3A_532, %dma_wait3A_533, %dma_wait3A_534, %dma_wait3A_535] : memref<2x32x1x4x128xf32, #tpu.memory_space<vmem>> -> memref<1x32x1x4x128xf32, #tpu.memory_space<vmem>>
        %dma_wait3A_537 = tpu.memref_squeeze %dma_wait3A_536 : memref<1x32x1x4x128xf32, #tpu.memory_space<vmem>> -> memref<32x1x4x128xf32, #tpu.memory_space<vmem>>
        %dma_wait3A_538 = arith.constant 0 : i32
        %dma_wait3A_539 = arith.constant 0 : i32
        %dma_wait3A_540 = arith.constant 0 : i32
        %dma_wait3A_541 = tpu.memref_slice %arg7[%select_n3A_514, %dma_wait3A_538, %select_n3A_530, %dma_wait3A_539, %dma_wait3A_540] : memref<50x32x32x4x128xf32, #tpu.memory_space<hbm>> -> memref<1x32x1x4x128xf32, #tpu.memory_space<hbm>>
        %dma_wait3A_542 = tpu.memref_squeeze %dma_wait3A_541 : memref<1x32x1x4x128xf32, #tpu.memory_space<hbm>> -> memref<32x1x4x128xf32, #tpu.memory_space<hbm>>
        %dma_wait3A_543 = arith.constant 0 : i32
        %dma_wait3A_544 = arith.constant 0 : i32
        %dma_wait3A_545 = arith.constant 0 : i32
        %dma_wait3A_546 = tpu.memref_slice %arg7[%select_n3A_514, %dma_wait3A_543, %select_n3A_530, %dma_wait3A_544, %dma_wait3A_545] : memref<50x32x32x4x128xf32, #tpu.memory_space<hbm>> -> memref<1x32x1x4x128xf32, #tpu.memory_space<hbm>>
        %dma_wait3A_547 = tpu.memref_squeeze %dma_wait3A_546 : memref<1x32x1x4x128xf32, #tpu.memory_space<hbm>> -> memref<32x1x4x128xf32, #tpu.memory_space<hbm>>
        %dma_wait3A_548 = arith.constant 0 : i32
        %dma_wait3A_549 = arith.constant 0 : i32
        %dma_wait3A_550 = arith.constant 0 : i32
        %dma_wait3A_551 = arith.constant 0 : i32
        %dma_wait3A_552 = tpu.memref_slice %arg10[%dma_wait3A_531, %dma_wait3A_548, %dma_wait3A_549, %dma_wait3A_550, %dma_wait3A_551] : memref<2x32x1x4x128xf32, #tpu.memory_space<vmem>> -> memref<1x32x1x4x128xf32, #tpu.memory_space<vmem>>
        %dma_wait3A_553 = tpu.memref_squeeze %dma_wait3A_552 : memref<1x32x1x4x128xf32, #tpu.memory_space<vmem>> -> memref<32x1x4x128xf32, #tpu.memory_space<vmem>>
        tpu.wait_dma2 semaphore(%arg13 : memref<!tpu.dma_semaphore, #tpu.memory_space<semaphore_mem>>) src(%dma_wait3A_553 : memref<32x1x4x128xf32, #tpu.memory_space<vmem>>) dst(%dma_wait3A_547 : memref<32x1x4x128xf32, #tpu.memory_space<hbm>>)
      } else {
      }
      %parallel_loop3A = arith.constant 0 : i32
      %parallel_loop3A_284 = arith.constant 128 : i32
      %parallel_loop3A_285 = arith.constant 1 : i32
      scf.for %parallel_loop3A_488 = %parallel_loop3A to %parallel_loop3A_284 step %parallel_loop3A_285  : i32 {
        %parallel_loop3A_489 = vector.broadcast %parallel_loop3A_488 : i32 to vector<16xi32>
        %parallel_loop3A_490 = arith.constant 0 : i32
        %parallel_loop3A_491 = arith.constant 0 : i32
        %parallel_loop3A_492 = arith.index_cast %parallel_loop3A_490 : i32 to index
        %parallel_loop3A_493 = arith.index_cast %parallel_loop3A_491 : i32 to index
        %parallel_loop3A_494 = arith.index_cast %parallel_loop3A_488 : i32 to index
        %parallel_loop3A_495 = arith.constant 0 : index
        %parallel_loop3A_496 = tpu.vector_load %arg9[%parallel_loop3A_492, %parallel_loop3A_493, %parallel_loop3A_494, %parallel_loop3A_495] {strides = array<i32>} : memref<2x4x128x32xf32, #tpu.memory_space<vmem>>, vector<16xf32>,
        %parallel_loop3A_497 = arith.constant 0 : i32
        %parallel_loop3A_498 = arith.constant 0 : i32
        %parallel_loop3A_499 = arith.constant 0 : i32
        %parallel_loop3A_500 = arith.constant 0 : i32
        %parallel_loop3A_501 = arith.constant 0 : i32
        %parallel_loop3A_502 = tpu.memref_slice %arg10[%parallel_loop3A_497, %parallel_loop3A_498, %parallel_loop3A_499, %parallel_loop3A_500, %parallel_loop3A_501] : memref<2x32x1x4x128xf32, #tpu.memory_space<vmem>> -> memref<1x32x1x4x128xf32, #tpu.memory_space<vmem>>
        %parallel_loop3A_503 = tpu.memref_squeeze %parallel_loop3A_502 : memref<1x32x1x4x128xf32, #tpu.memory_space<vmem>> -> memref<32x1x4x128xf32, #tpu.memory_space<vmem>>
        tpu.vector_store_idx %parallel_loop3A_503[%add3A_5, %broadcast_in_dim3A_17, %broadcast_in_dim3A_9, %parallel_loop3A_489], %parallel_loop3A_496 : memref<32x1x4x128xf32, #tpu.memory_space<vmem>>[vector<16xi32>, vector<16xi32>, vector<16xi32>, vector<16xi32>], vector<16xf32>,
        %parallel_loop3A_504 = arith.constant 0 : i32
        %parallel_loop3A_505 = arith.constant 0 : i32
        %parallel_loop3A_506 = arith.index_cast %parallel_loop3A_504 : i32 to index
        %parallel_loop3A_507 = arith.index_cast %parallel_loop3A_505 : i32 to index
        %parallel_loop3A_508 = arith.index_cast %parallel_loop3A_488 : i32 to index
        %parallel_loop3A_509 = arith.constant 16 : index
        %parallel_loop3A_510 = tpu.vector_load %arg9[%parallel_loop3A_506, %parallel_loop3A_507, %parallel_loop3A_508, %parallel_loop3A_509] {strides = array<i32>} : memref<2x4x128x32xf32, #tpu.memory_space<vmem>>, vector<16xf32>,
        %parallel_loop3A_511 = arith.constant 0 : i32
        %parallel_loop3A_512 = arith.constant 0 : i32
        %parallel_loop3A_513 = arith.constant 0 : i32
        %parallel_loop3A_514 = arith.constant 0 : i32
        %parallel_loop3A_515 = arith.constant 0 : i32
        %parallel_loop3A_516 = tpu.memref_slice %arg10[%parallel_loop3A_511, %parallel_loop3A_512, %parallel_loop3A_513, %parallel_loop3A_514, %parallel_loop3A_515] : memref<2x32x1x4x128xf32, #tpu.memory_space<vmem>> -> memref<1x32x1x4x128xf32, #tpu.memory_space<vmem>>
        %parallel_loop3A_517 = tpu.memref_squeeze %parallel_loop3A_516 : memref<1x32x1x4x128xf32, #tpu.memory_space<vmem>> -> memref<32x1x4x128xf32, #tpu.memory_space<vmem>>
        tpu.vector_store_idx %parallel_loop3A_517[%add3A_8, %broadcast_in_dim3A_17, %broadcast_in_dim3A_9, %parallel_loop3A_489], %parallel_loop3A_510 : memref<32x1x4x128xf32, #tpu.memory_space<vmem>>[vector<16xi32>, vector<16xi32>, vector<16xi32>, vector<16xi32>], vector<16xf32>,
        %parallel_loop3A_518 = arith.constant 0 : i32
        %parallel_loop3A_519 = arith.constant 1 : i32
        %parallel_loop3A_520 = arith.index_cast %parallel_loop3A_518 : i32 to index
        %parallel_loop3A_521 = arith.index_cast %parallel_loop3A_519 : i32 to index
        %parallel_loop3A_522 = arith.index_cast %parallel_loop3A_488 : i32 to index
        %parallel_loop3A_523 = arith.constant 0 : index
        %parallel_loop3A_524 = tpu.vector_load %arg9[%parallel_loop3A_520, %parallel_loop3A_521, %parallel_loop3A_522, %parallel_loop3A_523] {strides = array<i32>} : memref<2x4x128x32xf32, #tpu.memory_space<vmem>>, vector<16xf32>,
        %parallel_loop3A_525 = arith.constant 0 : i32
        %parallel_loop3A_526 = arith.constant 0 : i32
        %parallel_loop3A_527 = arith.constant 0 : i32
        %parallel_loop3A_528 = arith.constant 0 : i32
        %parallel_loop3A_529 = arith.constant 0 : i32
        %parallel_loop3A_530 = tpu.memref_slice %arg10[%parallel_loop3A_525, %parallel_loop3A_526, %parallel_loop3A_527, %parallel_loop3A_528, %parallel_loop3A_529] : memref<2x32x1x4x128xf32, #tpu.memory_space<vmem>> -> memref<1x32x1x4x128xf32, #tpu.memory_space<vmem>>
        %parallel_loop3A_531 = tpu.memref_squeeze %parallel_loop3A_530 : memref<1x32x1x4x128xf32, #tpu.memory_space<vmem>> -> memref<32x1x4x128xf32, #tpu.memory_space<vmem>>
        tpu.vector_store_idx %parallel_loop3A_531[%add3A_5, %broadcast_in_dim3A_17, %broadcast_in_dim3A_11, %parallel_loop3A_489], %parallel_loop3A_524 : memref<32x1x4x128xf32, #tpu.memory_space<vmem>>[vector<16xi32>, vector<16xi32>, vector<16xi32>, vector<16xi32>], vector<16xf32>,
        %parallel_loop3A_532 = arith.constant 0 : i32
        %parallel_loop3A_533 = arith.constant 1 : i32
        %parallel_loop3A_534 = arith.index_cast %parallel_loop3A_532 : i32 to index
        %parallel_loop3A_535 = arith.index_cast %parallel_loop3A_533 : i32 to index
        %parallel_loop3A_536 = arith.index_cast %parallel_loop3A_488 : i32 to index
        %parallel_loop3A_537 = arith.constant 16 : index
        %parallel_loop3A_538 = tpu.vector_load %arg9[%parallel_loop3A_534, %parallel_loop3A_535, %parallel_loop3A_536, %parallel_loop3A_537] {strides = array<i32>} : memref<2x4x128x32xf32, #tpu.memory_space<vmem>>, vector<16xf32>,
        %parallel_loop3A_539 = arith.constant 0 : i32
        %parallel_loop3A_540 = arith.constant 0 : i32
        %parallel_loop3A_541 = arith.constant 0 : i32
        %parallel_loop3A_542 = arith.constant 0 : i32
        %parallel_loop3A_543 = arith.constant 0 : i32
        %parallel_loop3A_544 = tpu.memref_slice %arg10[%parallel_loop3A_539, %parallel_loop3A_540, %parallel_loop3A_541, %parallel_loop3A_542, %parallel_loop3A_543] : memref<2x32x1x4x128xf32, #tpu.memory_space<vmem>> -> memref<1x32x1x4x128xf32, #tpu.memory_space<vmem>>
        %parallel_loop3A_545 = tpu.memref_squeeze %parallel_loop3A_544 : memref<1x32x1x4x128xf32, #tpu.memory_space<vmem>> -> memref<32x1x4x128xf32, #tpu.memory_space<vmem>>
        tpu.vector_store_idx %parallel_loop3A_545[%add3A_8, %broadcast_in_dim3A_17, %broadcast_in_dim3A_11, %parallel_loop3A_489], %parallel_loop3A_538 : memref<32x1x4x128xf32, #tpu.memory_space<vmem>>[vector<16xi32>, vector<16xi32>, vector<16xi32>, vector<16xi32>], vector<16xf32>,
        %parallel_loop3A_546 = arith.constant 0 : i32
        %parallel_loop3A_547 = arith.constant 2 : i32
        %parallel_loop3A_548 = arith.index_cast %parallel_loop3A_546 : i32 to index
        %parallel_loop3A_549 = arith.index_cast %parallel_loop3A_547 : i32 to index
        %parallel_loop3A_550 = arith.index_cast %parallel_loop3A_488 : i32 to index
        %parallel_loop3A_551 = arith.constant 0 : index
        %parallel_loop3A_552 = tpu.vector_load %arg9[%parallel_loop3A_548, %parallel_loop3A_549, %parallel_loop3A_550, %parallel_loop3A_551] {strides = array<i32>} : memref<2x4x128x32xf32, #tpu.memory_space<vmem>>, vector<16xf32>,
        %parallel_loop3A_553 = arith.constant 0 : i32
        %parallel_loop3A_554 = arith.constant 0 : i32
        %parallel_loop3A_555 = arith.constant 0 : i32
        %parallel_loop3A_556 = arith.constant 0 : i32
        %parallel_loop3A_557 = arith.constant 0 : i32
        %parallel_loop3A_558 = tpu.memref_slice %arg10[%parallel_loop3A_553, %parallel_loop3A_554, %parallel_loop3A_555, %parallel_loop3A_556, %parallel_loop3A_557] : memref<2x32x1x4x128xf32, #tpu.memory_space<vmem>> -> memref<1x32x1x4x128xf32, #tpu.memory_space<vmem>>
        %parallel_loop3A_559 = tpu.memref_squeeze %parallel_loop3A_558 : memref<1x32x1x4x128xf32, #tpu.memory_space<vmem>> -> memref<32x1x4x128xf32, #tpu.memory_space<vmem>>
        tpu.vector_store_idx %parallel_loop3A_559[%add3A_5, %broadcast_in_dim3A_17, %broadcast_in_dim3A_13, %parallel_loop3A_489], %parallel_loop3A_552 : memref<32x1x4x128xf32, #tpu.memory_space<vmem>>[vector<16xi32>, vector<16xi32>, vector<16xi32>, vector<16xi32>], vector<16xf32>,
        %parallel_loop3A_560 = arith.constant 0 : i32
        %parallel_loop3A_561 = arith.constant 2 : i32
        %parallel_loop3A_562 = arith.index_cast %parallel_loop3A_560 : i32 to index
        %parallel_loop3A_563 = arith.index_cast %parallel_loop3A_561 : i32 to index
        %parallel_loop3A_564 = arith.index_cast %parallel_loop3A_488 : i32 to index
        %parallel_loop3A_565 = arith.constant 16 : index
        %parallel_loop3A_566 = tpu.vector_load %arg9[%parallel_loop3A_562, %parallel_loop3A_563, %parallel_loop3A_564, %parallel_loop3A_565] {strides = array<i32>} : memref<2x4x128x32xf32, #tpu.memory_space<vmem>>, vector<16xf32>,
        %parallel_loop3A_567 = arith.constant 0 : i32
        %parallel_loop3A_568 = arith.constant 0 : i32
        %parallel_loop3A_569 = arith.constant 0 : i32
        %parallel_loop3A_570 = arith.constant 0 : i32
        %parallel_loop3A_571 = arith.constant 0 : i32
        %parallel_loop3A_572 = tpu.memref_slice %arg10[%parallel_loop3A_567, %parallel_loop3A_568, %parallel_loop3A_569, %parallel_loop3A_570, %parallel_loop3A_571] : memref<2x32x1x4x128xf32, #tpu.memory_space<vmem>> -> memref<1x32x1x4x128xf32, #tpu.memory_space<vmem>>
        %parallel_loop3A_573 = tpu.memref_squeeze %parallel_loop3A_572 : memref<1x32x1x4x128xf32, #tpu.memory_space<vmem>> -> memref<32x1x4x128xf32, #tpu.memory_space<vmem>>
        tpu.vector_store_idx %parallel_loop3A_573[%add3A_8, %broadcast_in_dim3A_17, %broadcast_in_dim3A_13, %parallel_loop3A_489], %parallel_loop3A_566 : memref<32x1x4x128xf32, #tpu.memory_space<vmem>>[vector<16xi32>, vector<16xi32>, vector<16xi32>, vector<16xi32>], vector<16xf32>,
        %parallel_loop3A_574 = arith.constant 0 : i32
        %parallel_loop3A_575 = arith.constant 3 : i32
        %parallel_loop3A_576 = arith.index_cast %parallel_loop3A_574 : i32 to index
        %parallel_loop3A_577 = arith.index_cast %parallel_loop3A_575 : i32 to index
        %parallel_loop3A_578 = arith.index_cast %parallel_loop3A_488 : i32 to index
        %parallel_loop3A_579 = arith.constant 0 : index
        %parallel_loop3A_580 = tpu.vector_load %arg9[%parallel_loop3A_576, %parallel_loop3A_577, %parallel_loop3A_578, %parallel_loop3A_579] {strides = array<i32>} : memref<2x4x128x32xf32, #tpu.memory_space<vmem>>, vector<16xf32>,
        %parallel_loop3A_581 = arith.constant 0 : i32
        %parallel_loop3A_582 = arith.constant 0 : i32
        %parallel_loop3A_583 = arith.constant 0 : i32
        %parallel_loop3A_584 = arith.constant 0 : i32
        %parallel_loop3A_585 = arith.constant 0 : i32
        %parallel_loop3A_586 = tpu.memref_slice %arg10[%parallel_loop3A_581, %parallel_loop3A_582, %parallel_loop3A_583, %parallel_loop3A_584, %parallel_loop3A_585] : memref<2x32x1x4x128xf32, #tpu.memory_space<vmem>> -> memref<1x32x1x4x128xf32, #tpu.memory_space<vmem>>
        %parallel_loop3A_587 = tpu.memref_squeeze %parallel_loop3A_586 : memref<1x32x1x4x128xf32, #tpu.memory_space<vmem>> -> memref<32x1x4x128xf32, #tpu.memory_space<vmem>>
        tpu.vector_store_idx %parallel_loop3A_587[%add3A_5, %broadcast_in_dim3A_17, %broadcast_in_dim3A_15, %parallel_loop3A_489], %parallel_loop3A_580 : memref<32x1x4x128xf32, #tpu.memory_space<vmem>>[vector<16xi32>, vector<16xi32>, vector<16xi32>, vector<16xi32>], vector<16xf32>,
        %parallel_loop3A_588 = arith.constant 0 : i32
        %parallel_loop3A_589 = arith.constant 3 : i32
        %parallel_loop3A_590 = arith.index_cast %parallel_loop3A_588 : i32 to index
        %parallel_loop3A_591 = arith.index_cast %parallel_loop3A_589 : i32 to index
        %parallel_loop3A_592 = arith.index_cast %parallel_loop3A_488 : i32 to index
        %parallel_loop3A_593 = arith.constant 16 : index
        %parallel_loop3A_594 = tpu.vector_load %arg9[%parallel_loop3A_590, %parallel_loop3A_591, %parallel_loop3A_592, %parallel_loop3A_593] {strides = array<i32>} : memref<2x4x128x32xf32, #tpu.memory_space<vmem>>, vector<16xf32>,
        %parallel_loop3A_595 = arith.constant 0 : i32
        %parallel_loop3A_596 = arith.constant 0 : i32
        %parallel_loop3A_597 = arith.constant 0 : i32
        %parallel_loop3A_598 = arith.constant 0 : i32
        %parallel_loop3A_599 = arith.constant 0 : i32
        %parallel_loop3A_600 = tpu.memref_slice %arg10[%parallel_loop3A_595, %parallel_loop3A_596, %parallel_loop3A_597, %parallel_loop3A_598, %parallel_loop3A_599] : memref<2x32x1x4x128xf32, #tpu.memory_space<vmem>> -> memref<1x32x1x4x128xf32, #tpu.memory_space<vmem>>
        %parallel_loop3A_601 = tpu.memref_squeeze %parallel_loop3A_600 : memref<1x32x1x4x128xf32, #tpu.memory_space<vmem>> -> memref<32x1x4x128xf32, #tpu.memory_space<vmem>>
        tpu.vector_store_idx %parallel_loop3A_601[%add3A_8, %broadcast_in_dim3A_17, %broadcast_in_dim3A_15, %parallel_loop3A_489], %parallel_loop3A_594 : memref<32x1x4x128xf32, #tpu.memory_space<vmem>>[vector<16xi32>, vector<16xi32>, vector<16xi32>, vector<16xi32>], vector<16xf32>,
      } {sc.loop_unroll_factor = 4 : i64, sc.parallel_access}
      %mul3A_286 = arith.constant 50 : i32
      %mul3A_287 = arith.muli %add3A, %mul3A_286 : i32
      %add3A_288 = arith.addi %mul3A_287, %add3A_237 : i32
      %jit3A_289 = arith.constant 32 : i32
      %div3A_290 = arith.divsi %add3A_288, %jit3A_289 : i32
      %sign3A_291 = arith.constant 0 : i32
      %sign3A_292 = arith.cmpi sgt, %add3A_288, %sign3A_291 : i32
      %sign3A_293 = arith.extui %sign3A_292 : i1 to i32
      %sign3A_294 = arith.constant 0 : i32
      %sign3A_295 = arith.cmpi slt, %add3A_288, %sign3A_294 : i32
      %sign3A_296 = arith.extui %sign3A_295 : i1 to i32
      %sign3A_297 = arith.subi %sign3A_293, %sign3A_296 : i32
      %sign3A_298 = arith.constant 0 : i32
      %sign3A_299 = arith.cmpi sgt, %jit3A_289, %sign3A_298 : i32
      %sign3A_300 = arith.extui %sign3A_299 : i1 to i32
      %sign3A_301 = arith.constant 0 : i32
      %sign3A_302 = arith.cmpi slt, %jit3A_289, %sign3A_301 : i32
      %sign3A_303 = arith.extui %sign3A_302 : i1 to i32
      %sign3A_304 = arith.subi %sign3A_300, %sign3A_303 : i32
      %ne3A_305 = arith.cmpi ne, %sign3A_297, %sign3A_304 : i32
      %rem3A_306 = arith.remsi %add3A_288, %jit3A_289 : i32
      %ne3A_307 = arith.constant 0 : i32
      %ne3A_308 = arith.cmpi ne, %rem3A_306, %ne3A_307 : i32
      %and3A_309 = arith.andi %ne3A_305, %ne3A_308 : i1
      %sub3A_310 = arith.constant 1 : i32
      %sub3A_311 = arith.subi %div3A_290, %sub3A_310 : i32
      %select_n3A_312 = arith.select %and3A_309, %sub3A_311, %div3A_290 : i32
      %jit3A_313 = arith.constant 32 : i32
      %eq3A_314 = arith.constant 0 : i32
      %eq3A_315 = arith.cmpi eq, %jit3A_313, %eq3A_314 : i32
      %jit3A_316 = arith.constant 1 : i32
      %select_n3A_317 = arith.select %eq3A_315, %jit3A_316, %jit3A_313 : i32
      %rem3A_318 = arith.remsi %add3A_288, %select_n3A_317 : i32
      %ne3A_319 = arith.constant 0 : i32
      %ne3A_320 = arith.cmpi ne, %rem3A_318, %ne3A_319 : i32
      %lt3A_321 = arith.constant 0 : i32
      %lt3A_322 = arith.cmpi slt, %rem3A_318, %lt3A_321 : i32
      %lt3A_323 = arith.constant 0 : i32
      %lt3A_324 = arith.cmpi slt, %select_n3A_317, %lt3A_323 : i32
      %ne3A_325 = arith.xori %lt3A_322, %lt3A_324 : i1
      %and3A_326 = arith.andi %ne3A_325, %ne3A_320 : i1
      %add3A_327 = arith.addi %rem3A_318, %select_n3A_317 : i32
      %select_n3A_328 = arith.select %and3A_326, %add3A_327, %rem3A_318 : i32
      %dma_start3A_329 = arith.constant 0 : i32
      %dma_start3A_330 = arith.constant 0 : i32
      %dma_start3A_331 = arith.constant 0 : i32
      %dma_start3A_332 = arith.constant 0 : i32
      %dma_start3A_333 = arith.constant 0 : i32
      %dma_start3A_334 = tpu.memref_slice %arg10[%dma_start3A_329, %dma_start3A_330, %dma_start3A_331, %dma_start3A_332, %dma_start3A_333] : memref<2x32x1x4x128xf32, #tpu.memory_space<vmem>> -> memref<1x32x1x4x128xf32, #tpu.memory_space<vmem>>
      %dma_start3A_335 = tpu.memref_squeeze %dma_start3A_334 : memref<1x32x1x4x128xf32, #tpu.memory_space<vmem>> -> memref<32x1x4x128xf32, #tpu.memory_space<vmem>>
      %dma_start3A_336 = arith.constant 0 : i32
      %dma_start3A_337 = arith.constant 0 : i32
      %dma_start3A_338 = arith.constant 0 : i32
      %dma_start3A_339 = tpu.memref_slice %arg7[%select_n3A_312, %dma_start3A_336, %select_n3A_328, %dma_start3A_337, %dma_start3A_338] : memref<50x32x32x4x128xf32, #tpu.memory_space<hbm>> -> memref<1x32x1x4x128xf32, #tpu.memory_space<hbm>>
      %dma_start3A_340 = tpu.memref_squeeze %dma_start3A_339 : memref<1x32x1x4x128xf32, #tpu.memory_space<hbm>> -> memref<32x1x4x128xf32, #tpu.memory_space<hbm>>
      %dma_start3A_341 = arith.constant 0 : i32
      %dma_start3A_342 = arith.constant 0 : i32
      %dma_start3A_343 = arith.constant 0 : i32
      %dma_start3A_344 = tpu.memref_slice %arg7[%select_n3A_312, %dma_start3A_341, %select_n3A_328, %dma_start3A_342, %dma_start3A_343] : memref<50x32x32x4x128xf32, #tpu.memory_space<hbm>> -> memref<1x32x1x4x128xf32, #tpu.memory_space<hbm>>
      %dma_start3A_345 = tpu.memref_squeeze %dma_start3A_344 : memref<1x32x1x4x128xf32, #tpu.memory_space<hbm>> -> memref<32x1x4x128xf32, #tpu.memory_space<hbm>>
      %dma_start3A_346 = arith.constant 0 : i32
      %dma_start3A_347 = arith.constant 0 : i32
      %dma_start3A_348 = arith.constant 0 : i32
      %dma_start3A_349 = arith.constant 0 : i32
      %dma_start3A_350 = tpu.memref_slice %arg10[%dma_start3A_329, %dma_start3A_346, %dma_start3A_347, %dma_start3A_348, %dma_start3A_349] : memref<2x32x1x4x128xf32, #tpu.memory_space<vmem>> -> memref<1x32x1x4x128xf32, #tpu.memory_space<vmem>>
      %dma_start3A_351 = tpu.memref_squeeze %dma_start3A_350 : memref<1x32x1x4x128xf32, #tpu.memory_space<vmem>> -> memref<32x1x4x128xf32, #tpu.memory_space<vmem>>
      tpu.enqueue_dma source(%dma_start3A_351 : memref<32x1x4x128xf32, #tpu.memory_space<vmem>>) target(%dma_start3A_345 : memref<32x1x4x128xf32, #tpu.memory_space<hbm>>) target_semaphore(%arg13 : memref<!tpu.dma_semaphore, #tpu.memory_space<semaphore_mem>>)
      %add3A_352 = arith.constant 2 : i32
      %add3A_353 = arith.addi %add3A_237, %add3A_352 : i32
      %lt3A_354 = arith.constant 50 : i32
      %lt3A_355 = arith.cmpi slt, %add3A_353, %lt3A_354 : i32
      %convert_element_type3A_356 = arith.extui %lt3A_355 : i1 to i32
      %cond3A_357 = arith.constant 0 : i32
      %cond3A_358 = arith.cmpi ne, %convert_element_type3A_356, %cond3A_357 : i32
      scf.if %cond3A_358 {
        %add3A_488 = arith.constant 2 : i32
        %add3A_489 = arith.addi %add3A_237, %add3A_488 : i32
        %mul3A_490 = arith.constant 128 : i32
        %mul3A_491 = arith.muli %add3A_489, %mul3A_490 : i32
        %dma_start3A_492 = arith.constant 0 : i32
        %dma_start3A_493 = arith.constant 0 : i32
        %dma_start3A_494 = arith.constant 0 : i32
        %dma_start3A_495 = arith.constant 0 : i32
        %dma_start3A_496 = tpu.memref_slice %arg9[%dma_start3A_492, %dma_start3A_493, %dma_start3A_494, %dma_start3A_495] : memref<2x4x128x32xf32, #tpu.memory_space<vmem>> -> memref<1x1x128x32xf32, #tpu.memory_space<vmem>>
        %dma_start3A_497 = tpu.memref_squeeze %dma_start3A_496 : memref<1x1x128x32xf32, #tpu.memory_space<vmem>> -> memref<128x32xf32, #tpu.memory_space<vmem>>
        %dma_start3A_498 = tpu.memref_slice %arg8[%mul3A_491] : memref<6400xi32, #tpu.memory_space<vmem>> -> memref<128xi32, #tpu.memory_space<vmem>>
        %dma_start3A_499 = arith.constant 0 : i32
        %dma_start3A_500 = arith.constant 0 : i32
        %dma_start3A_501 = tpu.memref_slice %arg3[%dma_start3A_499, %dma_start3A_500] : memref<1000000x32xf32, #tpu.memory_space<hbm>> -> memref<1000000x32xf32, #tpu.memory_space<hbm>>
        tpu.enqueue_indirect_dma source(%dma_start3A_501 : memref<1000000x32xf32, #tpu.memory_space<hbm>>) target(%dma_start3A_497 : memref<128x32xf32, #tpu.memory_space<vmem>>) offsets(%dma_start3A_498 : memref<128xi32, #tpu.memory_space<vmem>>) semaphore(%arg11 : memref<!tpu.dma_semaphore, #tpu.memory_space<semaphore_mem>>)
        %dma_start3A_502 = arith.constant 0 : i32
        %dma_start3A_503 = arith.constant 1 : i32
        %dma_start3A_504 = arith.constant 0 : i32
        %dma_start3A_505 = arith.constant 0 : i32
        %dma_start3A_506 = tpu.memref_slice %arg9[%dma_start3A_502, %dma_start3A_503, %dma_start3A_504, %dma_start3A_505] : memref<2x4x128x32xf32, #tpu.memory_space<vmem>> -> memref<1x1x128x32xf32, #tpu.memory_space<vmem>>
        %dma_start3A_507 = tpu.memref_squeeze %dma_start3A_506 : memref<1x1x128x32xf32, #tpu.memory_space<vmem>> -> memref<128x32xf32, #tpu.memory_space<vmem>>
        %dma_start3A_508 = tpu.memref_slice %arg8[%mul3A_491] : memref<6400xi32, #tpu.memory_space<vmem>> -> memref<128xi32, #tpu.memory_space<vmem>>
        %dma_start3A_509 = arith.constant 0 : i32
        %dma_start3A_510 = arith.constant 0 : i32
        %dma_start3A_511 = tpu.memref_slice %arg4[%dma_start3A_509, %dma_start3A_510] : memref<1000000x32xf32, #tpu.memory_space<hbm>> -> memref<1000000x32xf32, #tpu.memory_space<hbm>>
        tpu.enqueue_indirect_dma source(%dma_start3A_511 : memref<1000000x32xf32, #tpu.memory_space<hbm>>) target(%dma_start3A_507 : memref<128x32xf32, #tpu.memory_space<vmem>>) offsets(%dma_start3A_508 : memref<128xi32, #tpu.memory_space<vmem>>) semaphore(%arg11 : memref<!tpu.dma_semaphore, #tpu.memory_space<semaphore_mem>>)
        %dma_start3A_512 = arith.constant 0 : i32
        %dma_start3A_513 = arith.constant 2 : i32
        %dma_start3A_514 = arith.constant 0 : i32
        %dma_start3A_515 = arith.constant 0 : i32
        %dma_start3A_516 = tpu.memref_slice %arg9[%dma_start3A_512, %dma_start3A_513, %dma_start3A_514, %dma_start3A_515] : memref<2x4x128x32xf32, #tpu.memory_space<vmem>> -> memref<1x1x128x32xf32, #tpu.memory_space<vmem>>
        %dma_start3A_517 = tpu.memref_squeeze %dma_start3A_516 : memref<1x1x128x32xf32, #tpu.memory_space<vmem>> -> memref<128x32xf32, #tpu.memory_space<vmem>>
        %dma_start3A_518 = tpu.memref_slice %arg8[%mul3A_491] : memref<6400xi32, #tpu.memory_space<vmem>> -> memref<128xi32, #tpu.memory_space<vmem>>
        %dma_start3A_519 = arith.constant 0 : i32
        %dma_start3A_520 = arith.constant 0 : i32
        %dma_start3A_521 = tpu.memref_slice %arg5[%dma_start3A_519, %dma_start3A_520] : memref<1000000x32xf32, #tpu.memory_space<hbm>> -> memref<1000000x32xf32, #tpu.memory_space<hbm>>
        tpu.enqueue_indirect_dma source(%dma_start3A_521 : memref<1000000x32xf32, #tpu.memory_space<hbm>>) target(%dma_start3A_517 : memref<128x32xf32, #tpu.memory_space<vmem>>) offsets(%dma_start3A_518 : memref<128xi32, #tpu.memory_space<vmem>>) semaphore(%arg11 : memref<!tpu.dma_semaphore, #tpu.memory_space<semaphore_mem>>)
        %dma_start3A_522 = arith.constant 0 : i32
        %dma_start3A_523 = arith.constant 3 : i32
        %dma_start3A_524 = arith.constant 0 : i32
        %dma_start3A_525 = arith.constant 0 : i32
        %dma_start3A_526 = tpu.memref_slice %arg9[%dma_start3A_522, %dma_start3A_523, %dma_start3A_524, %dma_start3A_525] : memref<2x4x128x32xf32, #tpu.memory_space<vmem>> -> memref<1x1x128x32xf32, #tpu.memory_space<vmem>>
        %dma_start3A_527 = tpu.memref_squeeze %dma_start3A_526 : memref<1x1x128x32xf32, #tpu.memory_space<vmem>> -> memref<128x32xf32, #tpu.memory_space<vmem>>
        %dma_start3A_528 = tpu.memref_slice %arg8[%mul3A_491] : memref<6400xi32, #tpu.memory_space<vmem>> -> memref<128xi32, #tpu.memory_space<vmem>>
        %dma_start3A_529 = arith.constant 0 : i32
        %dma_start3A_530 = arith.constant 0 : i32
        %dma_start3A_531 = tpu.memref_slice %arg6[%dma_start3A_529, %dma_start3A_530] : memref<1000000x32xf32, #tpu.memory_space<hbm>> -> memref<1000000x32xf32, #tpu.memory_space<hbm>>
        tpu.enqueue_indirect_dma source(%dma_start3A_531 : memref<1000000x32xf32, #tpu.memory_space<hbm>>) target(%dma_start3A_527 : memref<128x32xf32, #tpu.memory_space<vmem>>) offsets(%dma_start3A_528 : memref<128xi32, #tpu.memory_space<vmem>>) semaphore(%arg11 : memref<!tpu.dma_semaphore, #tpu.memory_space<semaphore_mem>>)
      } else {
      }
      %mul3A_359 = arith.constant 2 : i32
      %mul3A_360 = arith.muli %mul3A_359, %scan3A_233 : i32
      %add3A_361 = arith.constant 1 : i32
      %add3A_362 = arith.addi %mul3A_360, %add3A_361 : i32
      %dma_wait3A_363 = arith.constant 1 : i32
      %dma_wait3A_364 = arith.constant 0 : i32
      %dma_wait3A_365 = arith.constant 0 : i32
      %dma_wait3A_366 = arith.constant 0 : i32
      %dma_wait3A_367 = tpu.memref_slice %arg9[%dma_wait3A_363, %dma_wait3A_364, %dma_wait3A_365, %dma_wait3A_366] : memref<2x4x128x32xf32, #tpu.memory_space<vmem>> -> memref<1x1x128x32xf32, #tpu.memory_space<vmem>>
      %dma_wait3A_368 = tpu.memref_squeeze %dma_wait3A_367 : memref<1x1x128x32xf32, #tpu.memory_space<vmem>> -> memref<128x32xf32, #tpu.memory_space<vmem>>
      %dma_wait3A_369 = arith.constant 0 : i32
      %dma_wait3A_370 = tpu.memref_slice %arg8[%dma_wait3A_369] : memref<6400xi32, #tpu.memory_space<vmem>> -> memref<128xi32, #tpu.memory_space<vmem>>
      %dma_wait3A_371 = arith.constant 0 : i32
      %dma_wait3A_372 = arith.constant 0 : i32
      %dma_wait3A_373 = tpu.memref_slice %arg3[%dma_wait3A_371, %dma_wait3A_372] : memref<1000000x32xf32, #tpu.memory_space<hbm>> -> memref<1000000x32xf32, #tpu.memory_space<hbm>>
      tpu.wait_indirect_dma semaphore(%arg12 : memref<!tpu.dma_semaphore, #tpu.memory_space<semaphore_mem>>) src(%dma_wait3A_373 : memref<1000000x32xf32, #tpu.memory_space<hbm>>) dst(%dma_wait3A_368 : memref<128x32xf32, #tpu.memory_space<vmem>>)
      %dma_wait3A_374 = arith.constant 1 : i32
      %dma_wait3A_375 = arith.constant 1 : i32
      %dma_wait3A_376 = arith.constant 0 : i32
      %dma_wait3A_377 = arith.constant 0 : i32
      %dma_wait3A_378 = tpu.memref_slice %arg9[%dma_wait3A_374, %dma_wait3A_375, %dma_wait3A_376, %dma_wait3A_377] : memref<2x4x128x32xf32, #tpu.memory_space<vmem>> -> memref<1x1x128x32xf32, #tpu.memory_space<vmem>>
      %dma_wait3A_379 = tpu.memref_squeeze %dma_wait3A_378 : memref<1x1x128x32xf32, #tpu.memory_space<vmem>> -> memref<128x32xf32, #tpu.memory_space<vmem>>
      %dma_wait3A_380 = arith.constant 0 : i32
      %dma_wait3A_381 = tpu.memref_slice %arg8[%dma_wait3A_380] : memref<6400xi32, #tpu.memory_space<vmem>> -> memref<128xi32, #tpu.memory_space<vmem>>
      %dma_wait3A_382 = arith.constant 0 : i32
      %dma_wait3A_383 = arith.constant 0 : i32
      %dma_wait3A_384 = tpu.memref_slice %arg4[%dma_wait3A_382, %dma_wait3A_383] : memref<1000000x32xf32, #tpu.memory_space<hbm>> -> memref<1000000x32xf32, #tpu.memory_space<hbm>>
      tpu.wait_indirect_dma semaphore(%arg12 : memref<!tpu.dma_semaphore, #tpu.memory_space<semaphore_mem>>) src(%dma_wait3A_384 : memref<1000000x32xf32, #tpu.memory_space<hbm>>) dst(%dma_wait3A_379 : memref<128x32xf32, #tpu.memory_space<vmem>>)
      %dma_wait3A_385 = arith.constant 1 : i32
      %dma_wait3A_386 = arith.constant 2 : i32
      %dma_wait3A_387 = arith.constant 0 : i32
      %dma_wait3A_388 = arith.constant 0 : i32
      %dma_wait3A_389 = tpu.memref_slice %arg9[%dma_wait3A_385, %dma_wait3A_386, %dma_wait3A_387, %dma_wait3A_388] : memref<2x4x128x32xf32, #tpu.memory_space<vmem>> -> memref<1x1x128x32xf32, #tpu.memory_space<vmem>>
      %dma_wait3A_390 = tpu.memref_squeeze %dma_wait3A_389 : memref<1x1x128x32xf32, #tpu.memory_space<vmem>> -> memref<128x32xf32, #tpu.memory_space<vmem>>
      %dma_wait3A_391 = arith.constant 0 : i32
      %dma_wait3A_392 = tpu.memref_slice %arg8[%dma_wait3A_391] : memref<6400xi32, #tpu.memory_space<vmem>> -> memref<128xi32, #tpu.memory_space<vmem>>
      %dma_wait3A_393 = arith.constant 0 : i32
      %dma_wait3A_394 = arith.constant 0 : i32
      %dma_wait3A_395 = tpu.memref_slice %arg5[%dma_wait3A_393, %dma_wait3A_394] : memref<1000000x32xf32, #tpu.memory_space<hbm>> -> memref<1000000x32xf32, #tpu.memory_space<hbm>>
      tpu.wait_indirect_dma semaphore(%arg12 : memref<!tpu.dma_semaphore, #tpu.memory_space<semaphore_mem>>) src(%dma_wait3A_395 : memref<1000000x32xf32, #tpu.memory_space<hbm>>) dst(%dma_wait3A_390 : memref<128x32xf32, #tpu.memory_space<vmem>>)
      %dma_wait3A_396 = arith.constant 1 : i32
      %dma_wait3A_397 = arith.constant 3 : i32
      %dma_wait3A_398 = arith.constant 0 : i32
      %dma_wait3A_399 = arith.constant 0 : i32
      %dma_wait3A_400 = tpu.memref_slice %arg9[%dma_wait3A_396, %dma_wait3A_397, %dma_wait3A_398, %dma_wait3A_399] : memref<2x4x128x32xf32, #tpu.memory_space<vmem>> -> memref<1x1x128x32xf32, #tpu.memory_space<vmem>>
      %dma_wait3A_401 = tpu.memref_squeeze %dma_wait3A_400 : memref<1x1x128x32xf32, #tpu.memory_space<vmem>> -> memref<128x32xf32, #tpu.memory_space<vmem>>
      %dma_wait3A_402 = arith.constant 0 : i32
      %dma_wait3A_403 = tpu.memref_slice %arg8[%dma_wait3A_402] : memref<6400xi32, #tpu.memory_space<vmem>> -> memref<128xi32, #tpu.memory_space<vmem>>
      %dma_wait3A_404 = arith.constant 0 : i32
      %dma_wait3A_405 = arith.constant 0 : i32
      %dma_wait3A_406 = tpu.memref_slice %arg6[%dma_wait3A_404, %dma_wait3A_405] : memref<1000000x32xf32, #tpu.memory_space<hbm>> -> memref<1000000x32xf32, #tpu.memory_space<hbm>>
      tpu.wait_indirect_dma semaphore(%arg12 : memref<!tpu.dma_semaphore, #tpu.memory_space<semaphore_mem>>) src(%dma_wait3A_406 : memref<1000000x32xf32, #tpu.memory_space<hbm>>) dst(%dma_wait3A_401 : memref<128x32xf32, #tpu.memory_space<vmem>>)
      %ge3A_407 = arith.constant 2 : i32
      %ge3A_408 = arith.cmpi sge, %add3A_362, %ge3A_407 : i32
      %convert_element_type3A_409 = arith.extui %ge3A_408 : i1 to i32
      %cond3A_410 = arith.constant 0 : i32
      %cond3A_411 = arith.cmpi ne, %convert_element_type3A_409, %cond3A_410 : i32
      scf.if %cond3A_411 {
        %mul3A_488 = arith.constant 50 : i32
        %mul3A_489 = arith.muli %add3A, %mul3A_488 : i32
        %add3A_490 = arith.addi %mul3A_489, %add3A_362 : i32
        %jit3A_491 = arith.constant 32 : i32
        %div3A_492 = arith.divsi %add3A_490, %jit3A_491 : i32
        %sign3A_493 = arith.constant 0 : i32
        %sign3A_494 = arith.cmpi sgt, %add3A_490, %sign3A_493 : i32
        %sign3A_495 = arith.extui %sign3A_494 : i1 to i32
        %sign3A_496 = arith.constant 0 : i32
        %sign3A_497 = arith.cmpi slt, %add3A_490, %sign3A_496 : i32
        %sign3A_498 = arith.extui %sign3A_497 : i1 to i32
        %sign3A_499 = arith.subi %sign3A_495, %sign3A_498 : i32
        %sign3A_500 = arith.constant 0 : i32
        %sign3A_501 = arith.cmpi sgt, %jit3A_491, %sign3A_500 : i32
        %sign3A_502 = arith.extui %sign3A_501 : i1 to i32
        %sign3A_503 = arith.constant 0 : i32
        %sign3A_504 = arith.cmpi slt, %jit3A_491, %sign3A_503 : i32
        %sign3A_505 = arith.extui %sign3A_504 : i1 to i32
        %sign3A_506 = arith.subi %sign3A_502, %sign3A_505 : i32
        %ne3A_507 = arith.cmpi ne, %sign3A_499, %sign3A_506 : i32
        %rem3A_508 = arith.remsi %add3A_490, %jit3A_491 : i32
        %ne3A_509 = arith.constant 0 : i32
        %ne3A_510 = arith.cmpi ne, %rem3A_508, %ne3A_509 : i32
        %and3A_511 = arith.andi %ne3A_507, %ne3A_510 : i1
        %sub3A_512 = arith.constant 1 : i32
        %sub3A_513 = arith.subi %div3A_492, %sub3A_512 : i32
        %select_n3A_514 = arith.select %and3A_511, %sub3A_513, %div3A_492 : i32
        %jit3A_515 = arith.constant 32 : i32
        %eq3A_516 = arith.constant 0 : i32
        %eq3A_517 = arith.cmpi eq, %jit3A_515, %eq3A_516 : i32
        %jit3A_518 = arith.constant 1 : i32
        %select_n3A_519 = arith.select %eq3A_517, %jit3A_518, %jit3A_515 : i32
        %rem3A_520 = arith.remsi %add3A_490, %select_n3A_519 : i32
        %ne3A_521 = arith.constant 0 : i32
        %ne3A_522 = arith.cmpi ne, %rem3A_520, %ne3A_521 : i32
        %lt3A_523 = arith.constant 0 : i32
        %lt3A_524 = arith.cmpi slt, %rem3A_520, %lt3A_523 : i32
        %lt3A_525 = arith.constant 0 : i32
        %lt3A_526 = arith.cmpi slt, %select_n3A_519, %lt3A_525 : i32
        %ne3A_527 = arith.xori %lt3A_524, %lt3A_526 : i1
        %and3A_528 = arith.andi %ne3A_527, %ne3A_522 : i1
        %add3A_529 = arith.addi %rem3A_520, %select_n3A_519 : i32
        %select_n3A_530 = arith.select %and3A_528, %add3A_529, %rem3A_520 : i32
        %dma_wait3A_531 = arith.constant 1 : i32
        %dma_wait3A_532 = arith.constant 0 : i32
        %dma_wait3A_533 = arith.constant 0 : i32
        %dma_wait3A_534 = arith.constant 0 : i32
        %dma_wait3A_535 = arith.constant 0 : i32
        %dma_wait3A_536 = tpu.memref_slice %arg10[%dma_wait3A_531, %dma_wait3A_532, %dma_wait3A_533, %dma_wait3A_534, %dma_wait3A_535] : memref<2x32x1x4x128xf32, #tpu.memory_space<vmem>> -> memref<1x32x1x4x128xf32, #tpu.memory_space<vmem>>
        %dma_wait3A_537 = tpu.memref_squeeze %dma_wait3A_536 : memref<1x32x1x4x128xf32, #tpu.memory_space<vmem>> -> memref<32x1x4x128xf32, #tpu.memory_space<vmem>>
        %dma_wait3A_538 = arith.constant 0 : i32
        %dma_wait3A_539 = arith.constant 0 : i32
        %dma_wait3A_540 = arith.constant 0 : i32
        %dma_wait3A_541 = tpu.memref_slice %arg7[%select_n3A_514, %dma_wait3A_538, %select_n3A_530, %dma_wait3A_539, %dma_wait3A_540] : memref<50x32x32x4x128xf32, #tpu.memory_space<hbm>> -> memref<1x32x1x4x128xf32, #tpu.memory_space<hbm>>
        %dma_wait3A_542 = tpu.memref_squeeze %dma_wait3A_541 : memref<1x32x1x4x128xf32, #tpu.memory_space<hbm>> -> memref<32x1x4x128xf32, #tpu.memory_space<hbm>>
        %dma_wait3A_543 = arith.constant 0 : i32
        %dma_wait3A_544 = arith.constant 0 : i32
        %dma_wait3A_545 = arith.constant 0 : i32
        %dma_wait3A_546 = tpu.memref_slice %arg7[%select_n3A_514, %dma_wait3A_543, %select_n3A_530, %dma_wait3A_544, %dma_wait3A_545] : memref<50x32x32x4x128xf32, #tpu.memory_space<hbm>> -> memref<1x32x1x4x128xf32, #tpu.memory_space<hbm>>
        %dma_wait3A_547 = tpu.memref_squeeze %dma_wait3A_546 : memref<1x32x1x4x128xf32, #tpu.memory_space<hbm>> -> memref<32x1x4x128xf32, #tpu.memory_space<hbm>>
        %dma_wait3A_548 = arith.constant 0 : i32
        %dma_wait3A_549 = arith.constant 0 : i32
        %dma_wait3A_550 = arith.constant 0 : i32
        %dma_wait3A_551 = arith.constant 0 : i32
        %dma_wait3A_552 = tpu.memref_slice %arg10[%dma_wait3A_531, %dma_wait3A_548, %dma_wait3A_549, %dma_wait3A_550, %dma_wait3A_551] : memref<2x32x1x4x128xf32, #tpu.memory_space<vmem>> -> memref<1x32x1x4x128xf32, #tpu.memory_space<vmem>>
        %dma_wait3A_553 = tpu.memref_squeeze %dma_wait3A_552 : memref<1x32x1x4x128xf32, #tpu.memory_space<vmem>> -> memref<32x1x4x128xf32, #tpu.memory_space<vmem>>
        tpu.wait_dma2 semaphore(%arg14 : memref<!tpu.dma_semaphore, #tpu.memory_space<semaphore_mem>>) src(%dma_wait3A_553 : memref<32x1x4x128xf32, #tpu.memory_space<vmem>>) dst(%dma_wait3A_547 : memref<32x1x4x128xf32, #tpu.memory_space<hbm>>)
      } else {
      }
      %parallel_loop3A_412 = arith.constant 0 : i32
      %parallel_loop3A_413 = arith.constant 128 : i32
      %parallel_loop3A_414 = arith.constant 1 : i32
      scf.for %parallel_loop3A_488 = %parallel_loop3A_412 to %parallel_loop3A_413 step %parallel_loop3A_414  : i32 {
        %parallel_loop3A_489 = vector.broadcast %parallel_loop3A_488 : i32 to vector<16xi32>
        %parallel_loop3A_490 = arith.constant 1 : i32
        %parallel_loop3A_491 = arith.constant 0 : i32
        %parallel_loop3A_492 = arith.index_cast %parallel_loop3A_490 : i32 to index
        %parallel_loop3A_493 = arith.index_cast %parallel_loop3A_491 : i32 to index
        %parallel_loop3A_494 = arith.index_cast %parallel_loop3A_488 : i32 to index
        %parallel_loop3A_495 = arith.constant 0 : index
        %parallel_loop3A_496 = tpu.vector_load %arg9[%parallel_loop3A_492, %parallel_loop3A_493, %parallel_loop3A_494, %parallel_loop3A_495] {strides = array<i32>} : memref<2x4x128x32xf32, #tpu.memory_space<vmem>>, vector<16xf32>,
        %parallel_loop3A_497 = arith.constant 1 : i32
        %parallel_loop3A_498 = arith.constant 0 : i32
        %parallel_loop3A_499 = arith.constant 0 : i32
        %parallel_loop3A_500 = arith.constant 0 : i32
        %parallel_loop3A_501 = arith.constant 0 : i32
        %parallel_loop3A_502 = tpu.memref_slice %arg10[%parallel_loop3A_497, %parallel_loop3A_498, %parallel_loop3A_499, %parallel_loop3A_500, %parallel_loop3A_501] : memref<2x32x1x4x128xf32, #tpu.memory_space<vmem>> -> memref<1x32x1x4x128xf32, #tpu.memory_space<vmem>>
        %parallel_loop3A_503 = tpu.memref_squeeze %parallel_loop3A_502 : memref<1x32x1x4x128xf32, #tpu.memory_space<vmem>> -> memref<32x1x4x128xf32, #tpu.memory_space<vmem>>
        tpu.vector_store_idx %parallel_loop3A_503[%add3A_5, %broadcast_in_dim3A_17, %broadcast_in_dim3A_9, %parallel_loop3A_489], %parallel_loop3A_496 : memref<32x1x4x128xf32, #tpu.memory_space<vmem>>[vector<16xi32>, vector<16xi32>, vector<16xi32>, vector<16xi32>], vector<16xf32>,
        %parallel_loop3A_504 = arith.constant 1 : i32
        %parallel_loop3A_505 = arith.constant 0 : i32
        %parallel_loop3A_506 = arith.index_cast %parallel_loop3A_504 : i32 to index
        %parallel_loop3A_507 = arith.index_cast %parallel_loop3A_505 : i32 to index
        %parallel_loop3A_508 = arith.index_cast %parallel_loop3A_488 : i32 to index
        %parallel_loop3A_509 = arith.constant 16 : index
        %parallel_loop3A_510 = tpu.vector_load %arg9[%parallel_loop3A_506, %parallel_loop3A_507, %parallel_loop3A_508, %parallel_loop3A_509] {strides = array<i32>} : memref<2x4x128x32xf32, #tpu.memory_space<vmem>>, vector<16xf32>,
        %parallel_loop3A_511 = arith.constant 1 : i32
        %parallel_loop3A_512 = arith.constant 0 : i32
        %parallel_loop3A_513 = arith.constant 0 : i32
        %parallel_loop3A_514 = arith.constant 0 : i32
        %parallel_loop3A_515 = arith.constant 0 : i32
        %parallel_loop3A_516 = tpu.memref_slice %arg10[%parallel_loop3A_511, %parallel_loop3A_512, %parallel_loop3A_513, %parallel_loop3A_514, %parallel_loop3A_515] : memref<2x32x1x4x128xf32, #tpu.memory_space<vmem>> -> memref<1x32x1x4x128xf32, #tpu.memory_space<vmem>>
        %parallel_loop3A_517 = tpu.memref_squeeze %parallel_loop3A_516 : memref<1x32x1x4x128xf32, #tpu.memory_space<vmem>> -> memref<32x1x4x128xf32, #tpu.memory_space<vmem>>
        tpu.vector_store_idx %parallel_loop3A_517[%add3A_8, %broadcast_in_dim3A_17, %broadcast_in_dim3A_9, %parallel_loop3A_489], %parallel_loop3A_510 : memref<32x1x4x128xf32, #tpu.memory_space<vmem>>[vector<16xi32>, vector<16xi32>, vector<16xi32>, vector<16xi32>], vector<16xf32>,
        %parallel_loop3A_518 = arith.constant 1 : i32
        %parallel_loop3A_519 = arith.constant 1 : i32
        %parallel_loop3A_520 = arith.index_cast %parallel_loop3A_518 : i32 to index
        %parallel_loop3A_521 = arith.index_cast %parallel_loop3A_519 : i32 to index
        %parallel_loop3A_522 = arith.index_cast %parallel_loop3A_488 : i32 to index
        %parallel_loop3A_523 = arith.constant 0 : index
        %parallel_loop3A_524 = tpu.vector_load %arg9[%parallel_loop3A_520, %parallel_loop3A_521, %parallel_loop3A_522, %parallel_loop3A_523] {strides = array<i32>} : memref<2x4x128x32xf32, #tpu.memory_space<vmem>>, vector<16xf32>,
        %parallel_loop3A_525 = arith.constant 1 : i32
        %parallel_loop3A_526 = arith.constant 0 : i32
        %parallel_loop3A_527 = arith.constant 0 : i32
        %parallel_loop3A_528 = arith.constant 0 : i32
        %parallel_loop3A_529 = arith.constant 0 : i32
        %parallel_loop3A_530 = tpu.memref_slice %arg10[%parallel_loop3A_525, %parallel_loop3A_526, %parallel_loop3A_527, %parallel_loop3A_528, %parallel_loop3A_529] : memref<2x32x1x4x128xf32, #tpu.memory_space<vmem>> -> memref<1x32x1x4x128xf32, #tpu.memory_space<vmem>>
        %parallel_loop3A_531 = tpu.memref_squeeze %parallel_loop3A_530 : memref<1x32x1x4x128xf32, #tpu.memory_space<vmem>> -> memref<32x1x4x128xf32, #tpu.memory_space<vmem>>
        tpu.vector_store_idx %parallel_loop3A_531[%add3A_5, %broadcast_in_dim3A_17, %broadcast_in_dim3A_11, %parallel_loop3A_489], %parallel_loop3A_524 : memref<32x1x4x128xf32, #tpu.memory_space<vmem>>[vector<16xi32>, vector<16xi32>, vector<16xi32>, vector<16xi32>], vector<16xf32>,
        %parallel_loop3A_532 = arith.constant 1 : i32
        %parallel_loop3A_533 = arith.constant 1 : i32
        %parallel_loop3A_534 = arith.index_cast %parallel_loop3A_532 : i32 to index
        %parallel_loop3A_535 = arith.index_cast %parallel_loop3A_533 : i32 to index
        %parallel_loop3A_536 = arith.index_cast %parallel_loop3A_488 : i32 to index
        %parallel_loop3A_537 = arith.constant 16 : index
        %parallel_loop3A_538 = tpu.vector_load %arg9[%parallel_loop3A_534, %parallel_loop3A_535, %parallel_loop3A_536, %parallel_loop3A_537] {strides = array<i32>} : memref<2x4x128x32xf32, #tpu.memory_space<vmem>>, vector<16xf32>,
        %parallel_loop3A_539 = arith.constant 1 : i32
        %parallel_loop3A_540 = arith.constant 0 : i32
        %parallel_loop3A_541 = arith.constant 0 : i32
        %parallel_loop3A_542 = arith.constant 0 : i32
        %parallel_loop3A_543 = arith.constant 0 : i32
        %parallel_loop3A_544 = tpu.memref_slice %arg10[%parallel_loop3A_539, %parallel_loop3A_540, %parallel_loop3A_541, %parallel_loop3A_542, %parallel_loop3A_543] : memref<2x32x1x4x128xf32, #tpu.memory_space<vmem>> -> memref<1x32x1x4x128xf32, #tpu.memory_space<vmem>>
        %parallel_loop3A_545 = tpu.memref_squeeze %parallel_loop3A_544 : memref<1x32x1x4x128xf32, #tpu.memory_space<vmem>> -> memref<32x1x4x128xf32, #tpu.memory_space<vmem>>
        tpu.vector_store_idx %parallel_loop3A_545[%add3A_8, %broadcast_in_dim3A_17, %broadcast_in_dim3A_11, %parallel_loop3A_489], %parallel_loop3A_538 : memref<32x1x4x128xf32, #tpu.memory_space<vmem>>[vector<16xi32>, vector<16xi32>, vector<16xi32>, vector<16xi32>], vector<16xf32>,
        %parallel_loop3A_546 = arith.constant 1 : i32
        %parallel_loop3A_547 = arith.constant 2 : i32
        %parallel_loop3A_548 = arith.index_cast %parallel_loop3A_546 : i32 to index
        %parallel_loop3A_549 = arith.index_cast %parallel_loop3A_547 : i32 to index
        %parallel_loop3A_550 = arith.index_cast %parallel_loop3A_488 : i32 to index
        %parallel_loop3A_551 = arith.constant 0 : index
        %parallel_loop3A_552 = tpu.vector_load %arg9[%parallel_loop3A_548, %parallel_loop3A_549, %parallel_loop3A_550, %parallel_loop3A_551] {strides = array<i32>} : memref<2x4x128x32xf32, #tpu.memory_space<vmem>>, vector<16xf32>,
        %parallel_loop3A_553 = arith.constant 1 : i32
        %parallel_loop3A_554 = arith.constant 0 : i32
        %parallel_loop3A_555 = arith.constant 0 : i32
        %parallel_loop3A_556 = arith.constant 0 : i32
        %parallel_loop3A_557 = arith.constant 0 : i32
        %parallel_loop3A_558 = tpu.memref_slice %arg10[%parallel_loop3A_553, %parallel_loop3A_554, %parallel_loop3A_555, %parallel_loop3A_556, %parallel_loop3A_557] : memref<2x32x1x4x128xf32, #tpu.memory_space<vmem>> -> memref<1x32x1x4x128xf32, #tpu.memory_space<vmem>>
        %parallel_loop3A_559 = tpu.memref_squeeze %parallel_loop3A_558 : memref<1x32x1x4x128xf32, #tpu.memory_space<vmem>> -> memref<32x1x4x128xf32, #tpu.memory_space<vmem>>
        tpu.vector_store_idx %parallel_loop3A_559[%add3A_5, %broadcast_in_dim3A_17, %broadcast_in_dim3A_13, %parallel_loop3A_489], %parallel_loop3A_552 : memref<32x1x4x128xf32, #tpu.memory_space<vmem>>[vector<16xi32>, vector<16xi32>, vector<16xi32>, vector<16xi32>], vector<16xf32>,
        %parallel_loop3A_560 = arith.constant 1 : i32
        %parallel_loop3A_561 = arith.constant 2 : i32
        %parallel_loop3A_562 = arith.index_cast %parallel_loop3A_560 : i32 to index
        %parallel_loop3A_563 = arith.index_cast %parallel_loop3A_561 : i32 to index
        %parallel_loop3A_564 = arith.index_cast %parallel_loop3A_488 : i32 to index
        %parallel_loop3A_565 = arith.constant 16 : index
        %parallel_loop3A_566 = tpu.vector_load %arg9[%parallel_loop3A_562, %parallel_loop3A_563, %parallel_loop3A_564, %parallel_loop3A_565] {strides = array<i32>} : memref<2x4x128x32xf32, #tpu.memory_space<vmem>>, vector<16xf32>,
        %parallel_loop3A_567 = arith.constant 1 : i32
        %parallel_loop3A_568 = arith.constant 0 : i32
        %parallel_loop3A_569 = arith.constant 0 : i32
        %parallel_loop3A_570 = arith.constant 0 : i32
        %parallel_loop3A_571 = arith.constant 0 : i32
        %parallel_loop3A_572 = tpu.memref_slice %arg10[%parallel_loop3A_567, %parallel_loop3A_568, %parallel_loop3A_569, %parallel_loop3A_570, %parallel_loop3A_571] : memref<2x32x1x4x128xf32, #tpu.memory_space<vmem>> -> memref<1x32x1x4x128xf32, #tpu.memory_space<vmem>>
        %parallel_loop3A_573 = tpu.memref_squeeze %parallel_loop3A_572 : memref<1x32x1x4x128xf32, #tpu.memory_space<vmem>> -> memref<32x1x4x128xf32, #tpu.memory_space<vmem>>
        tpu.vector_store_idx %parallel_loop3A_573[%add3A_8, %broadcast_in_dim3A_17, %broadcast_in_dim3A_13, %parallel_loop3A_489], %parallel_loop3A_566 : memref<32x1x4x128xf32, #tpu.memory_space<vmem>>[vector<16xi32>, vector<16xi32>, vector<16xi32>, vector<16xi32>], vector<16xf32>,
        %parallel_loop3A_574 = arith.constant 1 : i32
        %parallel_loop3A_575 = arith.constant 3 : i32
        %parallel_loop3A_576 = arith.index_cast %parallel_loop3A_574 : i32 to index
        %parallel_loop3A_577 = arith.index_cast %parallel_loop3A_575 : i32 to index
        %parallel_loop3A_578 = arith.index_cast %parallel_loop3A_488 : i32 to index
        %parallel_loop3A_579 = arith.constant 0 : index
        %parallel_loop3A_580 = tpu.vector_load %arg9[%parallel_loop3A_576, %parallel_loop3A_577, %parallel_loop3A_578, %parallel_loop3A_579] {strides = array<i32>} : memref<2x4x128x32xf32, #tpu.memory_space<vmem>>, vector<16xf32>,
        %parallel_loop3A_581 = arith.constant 1 : i32
        %parallel_loop3A_582 = arith.constant 0 : i32
        %parallel_loop3A_583 = arith.constant 0 : i32
        %parallel_loop3A_584 = arith.constant 0 : i32
        %parallel_loop3A_585 = arith.constant 0 : i32
        %parallel_loop3A_586 = tpu.memref_slice %arg10[%parallel_loop3A_581, %parallel_loop3A_582, %parallel_loop3A_583, %parallel_loop3A_584, %parallel_loop3A_585] : memref<2x32x1x4x128xf32, #tpu.memory_space<vmem>> -> memref<1x32x1x4x128xf32, #tpu.memory_space<vmem>>
        %parallel_loop3A_587 = tpu.memref_squeeze %parallel_loop3A_586 : memref<1x32x1x4x128xf32, #tpu.memory_space<vmem>> -> memref<32x1x4x128xf32, #tpu.memory_space<vmem>>
        tpu.vector_store_idx %parallel_loop3A_587[%add3A_5, %broadcast_in_dim3A_17, %broadcast_in_dim3A_15, %parallel_loop3A_489], %parallel_loop3A_580 : memref<32x1x4x128xf32, #tpu.memory_space<vmem>>[vector<16xi32>, vector<16xi32>, vector<16xi32>, vector<16xi32>], vector<16xf32>,
        %parallel_loop3A_588 = arith.constant 1 : i32
        %parallel_loop3A_589 = arith.constant 3 : i32
        %parallel_loop3A_590 = arith.index_cast %parallel_loop3A_588 : i32 to index
        %parallel_loop3A_591 = arith.index_cast %parallel_loop3A_589 : i32 to index
        %parallel_loop3A_592 = arith.index_cast %parallel_loop3A_488 : i32 to index
        %parallel_loop3A_593 = arith.constant 16 : index
        %parallel_loop3A_594 = tpu.vector_load %arg9[%parallel_loop3A_590, %parallel_loop3A_591, %parallel_loop3A_592, %parallel_loop3A_593] {strides = array<i32>} : memref<2x4x128x32xf32, #tpu.memory_space<vmem>>, vector<16xf32>,
        %parallel_loop3A_595 = arith.constant 1 : i32
        %parallel_loop3A_596 = arith.constant 0 : i32
        %parallel_loop3A_597 = arith.constant 0 : i32
        %parallel_loop3A_598 = arith.constant 0 : i32
        %parallel_loop3A_599 = arith.constant 0 : i32
        %parallel_loop3A_600 = tpu.memref_slice %arg10[%parallel_loop3A_595, %parallel_loop3A_596, %parallel_loop3A_597, %parallel_loop3A_598, %parallel_loop3A_599] : memref<2x32x1x4x128xf32, #tpu.memory_space<vmem>> -> memref<1x32x1x4x128xf32, #tpu.memory_space<vmem>>
        %parallel_loop3A_601 = tpu.memref_squeeze %parallel_loop3A_600 : memref<1x32x1x4x128xf32, #tpu.memory_space<vmem>> -> memref<32x1x4x128xf32, #tpu.memory_space<vmem>>
        tpu.vector_store_idx %parallel_loop3A_601[%add3A_8, %broadcast_in_dim3A_17, %broadcast_in_dim3A_15, %parallel_loop3A_489], %parallel_loop3A_594 : memref<32x1x4x128xf32, #tpu.memory_space<vmem>>[vector<16xi32>, vector<16xi32>, vector<16xi32>, vector<16xi32>], vector<16xf32>,
      } {sc.loop_unroll_factor = 4 : i64, sc.parallel_access}
      %mul3A_415 = arith.constant 50 : i32
      %mul3A_416 = arith.muli %add3A, %mul3A_415 : i32
      %add3A_417 = arith.addi %mul3A_416, %add3A_362 : i32
      %jit3A_418 = arith.constant 32 : i32
      %div3A_419 = arith.divsi %add3A_417, %jit3A_418 : i32
      %sign3A_420 = arith.constant 0 : i32
      %sign3A_421 = arith.cmpi sgt, %add3A_417, %sign3A_420 : i32
      %sign3A_422 = arith.extui %sign3A_421 : i1 to i32
      %sign3A_423 = arith.constant 0 : i32
      %sign3A_424 = arith.cmpi slt, %add3A_417, %sign3A_423 : i32
      %sign3A_425 = arith.extui %sign3A_424 : i1 to i32
      %sign3A_426 = arith.subi %sign3A_422, %sign3A_425 : i32
      %sign3A_427 = arith.constant 0 : i32
      %sign3A_428 = arith.cmpi sgt, %jit3A_418, %sign3A_427 : i32
      %sign3A_429 = arith.extui %sign3A_428 : i1 to i32
      %sign3A_430 = arith.constant 0 : i32
      %sign3A_431 = arith.cmpi slt, %jit3A_418, %sign3A_430 : i32
      %sign3A_432 = arith.extui %sign3A_431 : i1 to i32
      %sign3A_433 = arith.subi %sign3A_429, %sign3A_432 : i32
      %ne3A_434 = arith.cmpi ne, %sign3A_426, %sign3A_433 : i32
      %rem3A_435 = arith.remsi %add3A_417, %jit3A_418 : i32
      %ne3A_436 = arith.constant 0 : i32
      %ne3A_437 = arith.cmpi ne, %rem3A_435, %ne3A_436 : i32
      %and3A_438 = arith.andi %ne3A_434, %ne3A_437 : i1
      %sub3A_439 = arith.constant 1 : i32
      %sub3A_440 = arith.subi %div3A_419, %sub3A_439 : i32
      %select_n3A_441 = arith.select %and3A_438, %sub3A_440, %div3A_419 : i32
      %jit3A_442 = arith.constant 32 : i32
      %eq3A_443 = arith.constant 0 : i32
      %eq3A_444 = arith.cmpi eq, %jit3A_442, %eq3A_443 : i32
      %jit3A_445 = arith.constant 1 : i32
      %select_n3A_446 = arith.select %eq3A_444, %jit3A_445, %jit3A_442 : i32
      %rem3A_447 = arith.remsi %add3A_417, %select_n3A_446 : i32
      %ne3A_448 = arith.constant 0 : i32
      %ne3A_449 = arith.cmpi ne, %rem3A_447, %ne3A_448 : i32
      %lt3A_450 = arith.constant 0 : i32
      %lt3A_451 = arith.cmpi slt, %rem3A_447, %lt3A_450 : i32
      %lt3A_452 = arith.constant 0 : i32
      %lt3A_453 = arith.cmpi slt, %select_n3A_446, %lt3A_452 : i32
      %ne3A_454 = arith.xori %lt3A_451, %lt3A_453 : i1
      %and3A_455 = arith.andi %ne3A_454, %ne3A_449 : i1
      %add3A_456 = arith.addi %rem3A_447, %select_n3A_446 : i32
      %select_n3A_457 = arith.select %and3A_455, %add3A_456, %rem3A_447 : i32
      %dma_start3A_458 = arith.constant 1 : i32
      %dma_start3A_459 = arith.constant 0 : i32
      %dma_start3A_460 = arith.constant 0 : i32
      %dma_start3A_461 = arith.constant 0 : i32
      %dma_start3A_462 = arith.constant 0 : i32
      %dma_start3A_463 = tpu.memref_slice %arg10[%dma_start3A_458, %dma_start3A_459, %dma_start3A_460, %dma_start3A_461, %dma_start3A_462] : memref<2x32x1x4x128xf32, #tpu.memory_space<vmem>> -> memref<1x32x1x4x128xf32, #tpu.memory_space<vmem>>
      %dma_start3A_464 = tpu.memref_squeeze %dma_start3A_463 : memref<1x32x1x4x128xf32, #tpu.memory_space<vmem>> -> memref<32x1x4x128xf32, #tpu.memory_space<vmem>>
      %dma_start3A_465 = arith.constant 0 : i32
      %dma_start3A_466 = arith.constant 0 : i32
      %dma_start3A_467 = arith.constant 0 : i32
      %dma_start3A_468 = tpu.memref_slice %arg7[%select_n3A_441, %dma_start3A_465, %select_n3A_457, %dma_start3A_466, %dma_start3A_467] : memref<50x32x32x4x128xf32, #tpu.memory_space<hbm>> -> memref<1x32x1x4x128xf32, #tpu.memory_space<hbm>>
      %dma_start3A_469 = tpu.memref_squeeze %dma_start3A_468 : memref<1x32x1x4x128xf32, #tpu.memory_space<hbm>> -> memref<32x1x4x128xf32, #tpu.memory_space<hbm>>
      %dma_start3A_470 = arith.constant 0 : i32
      %dma_start3A_471 = arith.constant 0 : i32
      %dma_start3A_472 = arith.constant 0 : i32
      %dma_start3A_473 = tpu.memref_slice %arg7[%select_n3A_441, %dma_start3A_470, %select_n3A_457, %dma_start3A_471, %dma_start3A_472] : memref<50x32x32x4x128xf32, #tpu.memory_space<hbm>> -> memref<1x32x1x4x128xf32, #tpu.memory_space<hbm>>
      %dma_start3A_474 = tpu.memref_squeeze %dma_start3A_473 : memref<1x32x1x4x128xf32, #tpu.memory_space<hbm>> -> memref<32x1x4x128xf32, #tpu.memory_space<hbm>>
      %dma_start3A_475 = arith.constant 0 : i32
      %dma_start3A_476 = arith.constant 0 : i32
      %dma_start3A_477 = arith.constant 0 : i32
      %dma_start3A_478 = arith.constant 0 : i32
      %dma_start3A_479 = tpu.memref_slice %arg10[%dma_start3A_458, %dma_start3A_475, %dma_start3A_476, %dma_start3A_477, %dma_start3A_478] : memref<2x32x1x4x128xf32, #tpu.memory_space<vmem>> -> memref<1x32x1x4x128xf32, #tpu.memory_space<vmem>>
      %dma_start3A_480 = tpu.memref_squeeze %dma_start3A_479 : memref<1x32x1x4x128xf32, #tpu.memory_space<vmem>> -> memref<32x1x4x128xf32, #tpu.memory_space<vmem>>
      tpu.enqueue_dma source(%dma_start3A_480 : memref<32x1x4x128xf32, #tpu.memory_space<vmem>>) target(%dma_start3A_474 : memref<32x1x4x128xf32, #tpu.memory_space<hbm>>) target_semaphore(%arg14 : memref<!tpu.dma_semaphore, #tpu.memory_space<semaphore_mem>>)
      %add3A_481 = arith.constant 2 : i32
      %add3A_482 = arith.addi %add3A_362, %add3A_481 : i32
      %lt3A_483 = arith.constant 50 : i32
      %lt3A_484 = arith.cmpi slt, %add3A_482, %lt3A_483 : i32
      %convert_element_type3A_485 = arith.extui %lt3A_484 : i1 to i32
      %cond3A_486 = arith.constant 0 : i32
      %cond3A_487 = arith.cmpi ne, %convert_element_type3A_485, %cond3A_486 : i32
      scf.if %cond3A_487 {
        %add3A_488 = arith.constant 2 : i32
        %add3A_489 = arith.addi %add3A_362, %add3A_488 : i32
        %mul3A_490 = arith.constant 128 : i32
        %mul3A_491 = arith.muli %add3A_489, %mul3A_490 : i32
        %dma_start3A_492 = arith.constant 1 : i32
        %dma_start3A_493 = arith.constant 0 : i32
        %dma_start3A_494 = arith.constant 0 : i32
        %dma_start3A_495 = arith.constant 0 : i32
        %dma_start3A_496 = tpu.memref_slice %arg9[%dma_start3A_492, %dma_start3A_493, %dma_start3A_494, %dma_start3A_495] : memref<2x4x128x32xf32, #tpu.memory_space<vmem>> -> memref<1x1x128x32xf32, #tpu.memory_space<vmem>>
        %dma_start3A_497 = tpu.memref_squeeze %dma_start3A_496 : memref<1x1x128x32xf32, #tpu.memory_space<vmem>> -> memref<128x32xf32, #tpu.memory_space<vmem>>
        %dma_start3A_498 = tpu.memref_slice %arg8[%mul3A_491] : memref<6400xi32, #tpu.memory_space<vmem>> -> memref<128xi32, #tpu.memory_space<vmem>>
        %dma_start3A_499 = arith.constant 0 : i32
        %dma_start3A_500 = arith.constant 0 : i32
        %dma_start3A_501 = tpu.memref_slice %arg3[%dma_start3A_499, %dma_start3A_500] : memref<1000000x32xf32, #tpu.memory_space<hbm>> -> memref<1000000x32xf32, #tpu.memory_space<hbm>>
        tpu.enqueue_indirect_dma source(%dma_start3A_501 : memref<1000000x32xf32, #tpu.memory_space<hbm>>) target(%dma_start3A_497 : memref<128x32xf32, #tpu.memory_space<vmem>>) offsets(%dma_start3A_498 : memref<128xi32, #tpu.memory_space<vmem>>) semaphore(%arg12 : memref<!tpu.dma_semaphore, #tpu.memory_space<semaphore_mem>>)
        %dma_start3A_502 = arith.constant 1 : i32
        %dma_start3A_503 = arith.constant 1 : i32
        %dma_start3A_504 = arith.constant 0 : i32
        %dma_start3A_505 = arith.constant 0 : i32
        %dma_start3A_506 = tpu.memref_slice %arg9[%dma_start3A_502, %dma_start3A_503, %dma_start3A_504, %dma_start3A_505] : memref<2x4x128x32xf32, #tpu.memory_space<vmem>> -> memref<1x1x128x32xf32, #tpu.memory_space<vmem>>
        %dma_start3A_507 = tpu.memref_squeeze %dma_start3A_506 : memref<1x1x128x32xf32, #tpu.memory_space<vmem>> -> memref<128x32xf32, #tpu.memory_space<vmem>>
        %dma_start3A_508 = tpu.memref_slice %arg8[%mul3A_491] : memref<6400xi32, #tpu.memory_space<vmem>> -> memref<128xi32, #tpu.memory_space<vmem>>
        %dma_start3A_509 = arith.constant 0 : i32
        %dma_start3A_510 = arith.constant 0 : i32
        %dma_start3A_511 = tpu.memref_slice %arg4[%dma_start3A_509, %dma_start3A_510] : memref<1000000x32xf32, #tpu.memory_space<hbm>> -> memref<1000000x32xf32, #tpu.memory_space<hbm>>
        tpu.enqueue_indirect_dma source(%dma_start3A_511 : memref<1000000x32xf32, #tpu.memory_space<hbm>>) target(%dma_start3A_507 : memref<128x32xf32, #tpu.memory_space<vmem>>) offsets(%dma_start3A_508 : memref<128xi32, #tpu.memory_space<vmem>>) semaphore(%arg12 : memref<!tpu.dma_semaphore, #tpu.memory_space<semaphore_mem>>)
        %dma_start3A_512 = arith.constant 1 : i32
        %dma_start3A_513 = arith.constant 2 : i32
        %dma_start3A_514 = arith.constant 0 : i32
        %dma_start3A_515 = arith.constant 0 : i32
        %dma_start3A_516 = tpu.memref_slice %arg9[%dma_start3A_512, %dma_start3A_513, %dma_start3A_514, %dma_start3A_515] : memref<2x4x128x32xf32, #tpu.memory_space<vmem>> -> memref<1x1x128x32xf32, #tpu.memory_space<vmem>>
        %dma_start3A_517 = tpu.memref_squeeze %dma_start3A_516 : memref<1x1x128x32xf32, #tpu.memory_space<vmem>> -> memref<128x32xf32, #tpu.memory_space<vmem>>
        %dma_start3A_518 = tpu.memref_slice %arg8[%mul3A_491] : memref<6400xi32, #tpu.memory_space<vmem>> -> memref<128xi32, #tpu.memory_space<vmem>>
        %dma_start3A_519 = arith.constant 0 : i32
        %dma_start3A_520 = arith.constant 0 : i32
        %dma_start3A_521 = tpu.memref_slice %arg5[%dma_start3A_519, %dma_start3A_520] : memref<1000000x32xf32, #tpu.memory_space<hbm>> -> memref<1000000x32xf32, #tpu.memory_space<hbm>>
        tpu.enqueue_indirect_dma source(%dma_start3A_521 : memref<1000000x32xf32, #tpu.memory_space<hbm>>) target(%dma_start3A_517 : memref<128x32xf32, #tpu.memory_space<vmem>>) offsets(%dma_start3A_518 : memref<128xi32, #tpu.memory_space<vmem>>) semaphore(%arg12 : memref<!tpu.dma_semaphore, #tpu.memory_space<semaphore_mem>>)
        %dma_start3A_522 = arith.constant 1 : i32
        %dma_start3A_523 = arith.constant 3 : i32
        %dma_start3A_524 = arith.constant 0 : i32
        %dma_start3A_525 = arith.constant 0 : i32
        %dma_start3A_526 = tpu.memref_slice %arg9[%dma_start3A_522, %dma_start3A_523, %dma_start3A_524, %dma_start3A_525] : memref<2x4x128x32xf32, #tpu.memory_space<vmem>> -> memref<1x1x128x32xf32, #tpu.memory_space<vmem>>
        %dma_start3A_527 = tpu.memref_squeeze %dma_start3A_526 : memref<1x1x128x32xf32, #tpu.memory_space<vmem>> -> memref<128x32xf32, #tpu.memory_space<vmem>>
        %dma_start3A_528 = tpu.memref_slice %arg8[%mul3A_491] : memref<6400xi32, #tpu.memory_space<vmem>> -> memref<128xi32, #tpu.memory_space<vmem>>
        %dma_start3A_529 = arith.constant 0 : i32
        %dma_start3A_530 = arith.constant 0 : i32
        %dma_start3A_531 = tpu.memref_slice %arg6[%dma_start3A_529, %dma_start3A_530] : memref<1000000x32xf32, #tpu.memory_space<hbm>> -> memref<1000000x32xf32, #tpu.memory_space<hbm>>
        tpu.enqueue_indirect_dma source(%dma_start3A_531 : memref<1000000x32xf32, #tpu.memory_space<hbm>>) target(%dma_start3A_527 : memref<128x32xf32, #tpu.memory_space<vmem>>) offsets(%dma_start3A_528 : memref<128xi32, #tpu.memory_space<vmem>>) semaphore(%arg12 : memref<!tpu.dma_semaphore, #tpu.memory_space<semaphore_mem>>)
      } else {
      }
    }
    %scan3A_109 = arith.constant 25 : i32
    %mul3A_110 = arith.constant 50 : i32
    %mul3A_111 = arith.muli %add3A, %mul3A_110 : i32
    %add3A_112 = arith.constant 48 : i32
    %add3A_113 = arith.addi %mul3A_111, %add3A_112 : i32
    %jit3A = arith.constant 32 : i32
    %div3A = arith.divsi %add3A_113, %jit3A : i32
    %sign3A = arith.constant 0 : i32
    %sign3A_114 = arith.cmpi sgt, %add3A_113, %sign3A : i32
    %sign3A_115 = arith.extui %sign3A_114 : i1 to i32
    %sign3A_116 = arith.constant 0 : i32
    %sign3A_117 = arith.cmpi slt, %add3A_113, %sign3A_116 : i32
    %sign3A_118 = arith.extui %sign3A_117 : i1 to i32
    %sign3A_119 = arith.subi %sign3A_115, %sign3A_118 : i32
    %sign3A_120 = arith.constant 0 : i32
    %sign3A_121 = arith.cmpi sgt, %jit3A, %sign3A_120 : i32
    %sign3A_122 = arith.extui %sign3A_121 : i1 to i32
    %sign3A_123 = arith.constant 0 : i32
    %sign3A_124 = arith.cmpi slt, %jit3A, %sign3A_123 : i32
    %sign3A_125 = arith.extui %sign3A_124 : i1 to i32
    %sign3A_126 = arith.subi %sign3A_122, %sign3A_125 : i32
    %ne3A = arith.cmpi ne, %sign3A_119, %sign3A_126 : i32
    %rem3A = arith.remsi %add3A_113, %jit3A : i32
    %ne3A_127 = arith.constant 0 : i32
    %ne3A_128 = arith.cmpi ne, %rem3A, %ne3A_127 : i32
    %and3A = arith.andi %ne3A, %ne3A_128 : i1
    %sub3A = arith.constant 1 : i32
    %sub3A_129 = arith.subi %div3A, %sub3A : i32
    %select_n3A = arith.select %and3A, %sub3A_129, %div3A : i32
    %jit3A_130 = arith.constant 32 : i32
    %eq3A = arith.constant 0 : i32
    %eq3A_131 = arith.cmpi eq, %jit3A_130, %eq3A : i32
    %jit3A_132 = arith.constant 1 : i32
    %select_n3A_133 = arith.select %eq3A_131, %jit3A_132, %jit3A_130 : i32
    %rem3A_134 = arith.remsi %add3A_113, %select_n3A_133 : i32
    %ne3A_135 = arith.constant 0 : i32
    %ne3A_136 = arith.cmpi ne, %rem3A_134, %ne3A_135 : i32
    %lt3A = arith.constant 0 : i32
    %lt3A_137 = arith.cmpi slt, %rem3A_134, %lt3A : i32
    %lt3A_138 = arith.constant 0 : i32
    %lt3A_139 = arith.cmpi slt, %select_n3A_133, %lt3A_138 : i32
    %ne3A_140 = arith.xori %lt3A_137, %lt3A_139 : i1
    %and3A_141 = arith.andi %ne3A_140, %ne3A_136 : i1
    %add3A_142 = arith.addi %rem3A_134, %select_n3A_133 : i32
    %select_n3A_143 = arith.select %and3A_141, %add3A_142, %rem3A_134 : i32
    %dma_wait3A = arith.constant 0 : i32
    %dma_wait3A_144 = arith.constant 0 : i32
    %dma_wait3A_145 = arith.constant 0 : i32
    %dma_wait3A_146 = arith.constant 0 : i32
    %dma_wait3A_147 = arith.constant 0 : i32
    %dma_wait3A_148 = tpu.memref_slice %arg10[%dma_wait3A, %dma_wait3A_144, %dma_wait3A_145, %dma_wait3A_146, %dma_wait3A_147] : memref<2x32x1x4x128xf32, #tpu.memory_space<vmem>> -> memref<1x32x1x4x128xf32, #tpu.memory_space<vmem>>
    %dma_wait3A_149 = tpu.memref_squeeze %dma_wait3A_148 : memref<1x32x1x4x128xf32, #tpu.memory_space<vmem>> -> memref<32x1x4x128xf32, #tpu.memory_space<vmem>>
    %dma_wait3A_150 = arith.constant 0 : i32
    %dma_wait3A_151 = arith.constant 0 : i32
    %dma_wait3A_152 = arith.constant 0 : i32
    %dma_wait3A_153 = tpu.memref_slice %arg7[%select_n3A, %dma_wait3A_150, %select_n3A_143, %dma_wait3A_151, %dma_wait3A_152] : memref<50x32x32x4x128xf32, #tpu.memory_space<hbm>> -> memref<1x32x1x4x128xf32, #tpu.memory_space<hbm>>
    %dma_wait3A_154 = tpu.memref_squeeze %dma_wait3A_153 : memref<1x32x1x4x128xf32, #tpu.memory_space<hbm>> -> memref<32x1x4x128xf32, #tpu.memory_space<hbm>>
    %dma_wait3A_155 = arith.constant 0 : i32
    %dma_wait3A_156 = arith.constant 0 : i32
    %dma_wait3A_157 = arith.constant 0 : i32
    %dma_wait3A_158 = tpu.memref_slice %arg7[%select_n3A, %dma_wait3A_155, %select_n3A_143, %dma_wait3A_156, %dma_wait3A_157] : memref<50x32x32x4x128xf32, #tpu.memory_space<hbm>> -> memref<1x32x1x4x128xf32, #tpu.memory_space<hbm>>
    %dma_wait3A_159 = tpu.memref_squeeze %dma_wait3A_158 : memref<1x32x1x4x128xf32, #tpu.memory_space<hbm>> -> memref<32x1x4x128xf32, #tpu.memory_space<hbm>>
    %dma_wait3A_160 = arith.constant 0 : i32
    %dma_wait3A_161 = arith.constant 0 : i32
    %dma_wait3A_162 = arith.constant 0 : i32
    %dma_wait3A_163 = arith.constant 0 : i32
    %dma_wait3A_164 = tpu.memref_slice %arg10[%dma_wait3A, %dma_wait3A_160, %dma_wait3A_161, %dma_wait3A_162, %dma_wait3A_163] : memref<2x32x1x4x128xf32, #tpu.memory_space<vmem>> -> memref<1x32x1x4x128xf32, #tpu.memory_space<vmem>>
    %dma_wait3A_165 = tpu.memref_squeeze %dma_wait3A_164 : memref<1x32x1x4x128xf32, #tpu.memory_space<vmem>> -> memref<32x1x4x128xf32, #tpu.memory_space<vmem>>
    tpu.wait_dma2 semaphore(%arg13 : memref<!tpu.dma_semaphore, #tpu.memory_space<semaphore_mem>>) src(%dma_wait3A_165 : memref<32x1x4x128xf32, #tpu.memory_space<vmem>>) dst(%dma_wait3A_159 : memref<32x1x4x128xf32, #tpu.memory_space<hbm>>)
    %mul3A_166 = arith.constant 50 : i32
    %mul3A_167 = arith.muli %add3A, %mul3A_166 : i32
    %add3A_168 = arith.constant 49 : i32
    %add3A_169 = arith.addi %mul3A_167, %add3A_168 : i32
    %jit3A_170 = arith.constant 32 : i32
    %div3A_171 = arith.divsi %add3A_169, %jit3A_170 : i32
    %sign3A_172 = arith.constant 0 : i32
    %sign3A_173 = arith.cmpi sgt, %add3A_169, %sign3A_172 : i32
    %sign3A_174 = arith.extui %sign3A_173 : i1 to i32
    %sign3A_175 = arith.constant 0 : i32
    %sign3A_176 = arith.cmpi slt, %add3A_169, %sign3A_175 : i32
    %sign3A_177 = arith.extui %sign3A_176 : i1 to i32
    %sign3A_178 = arith.subi %sign3A_174, %sign3A_177 : i32
    %sign3A_179 = arith.constant 0 : i32
    %sign3A_180 = arith.cmpi sgt, %jit3A_170, %sign3A_179 : i32
    %sign3A_181 = arith.extui %sign3A_180 : i1 to i32
    %sign3A_182 = arith.constant 0 : i32
    %sign3A_183 = arith.cmpi slt, %jit3A_170, %sign3A_182 : i32
    %sign3A_184 = arith.extui %sign3A_183 : i1 to i32
    %sign3A_185 = arith.subi %sign3A_181, %sign3A_184 : i32
    %ne3A_186 = arith.cmpi ne, %sign3A_178, %sign3A_185 : i32
    %rem3A_187 = arith.remsi %add3A_169, %jit3A_170 : i32
    %ne3A_188 = arith.constant 0 : i32
    %ne3A_189 = arith.cmpi ne, %rem3A_187, %ne3A_188 : i32
    %and3A_190 = arith.andi %ne3A_186, %ne3A_189 : i1
    %sub3A_191 = arith.constant 1 : i32
    %sub3A_192 = arith.subi %div3A_171, %sub3A_191 : i32
    %select_n3A_193 = arith.select %and3A_190, %sub3A_192, %div3A_171 : i32
    %jit3A_194 = arith.constant 32 : i32
    %eq3A_195 = arith.constant 0 : i32
    %eq3A_196 = arith.cmpi eq, %jit3A_194, %eq3A_195 : i32
    %jit3A_197 = arith.constant 1 : i32
    %select_n3A_198 = arith.select %eq3A_196, %jit3A_197, %jit3A_194 : i32
    %rem3A_199 = arith.remsi %add3A_169, %select_n3A_198 : i32
    %ne3A_200 = arith.constant 0 : i32
    %ne3A_201 = arith.cmpi ne, %rem3A_199, %ne3A_200 : i32
    %lt3A_202 = arith.constant 0 : i32
    %lt3A_203 = arith.cmpi slt, %rem3A_199, %lt3A_202 : i32
    %lt3A_204 = arith.constant 0 : i32
    %lt3A_205 = arith.cmpi slt, %select_n3A_198, %lt3A_204 : i32
    %ne3A_206 = arith.xori %lt3A_203, %lt3A_205 : i1
    %and3A_207 = arith.andi %ne3A_206, %ne3A_201 : i1
    %add3A_208 = arith.addi %rem3A_199, %select_n3A_198 : i32
    %select_n3A_209 = arith.select %and3A_207, %add3A_208, %rem3A_199 : i32
    %dma_wait3A_210 = arith.constant 1 : i32
    %dma_wait3A_211 = arith.constant 0 : i32
    %dma_wait3A_212 = arith.constant 0 : i32
    %dma_wait3A_213 = arith.constant 0 : i32
    %dma_wait3A_214 = arith.constant 0 : i32
    %dma_wait3A_215 = tpu.memref_slice %arg10[%dma_wait3A_210, %dma_wait3A_211, %dma_wait3A_212, %dma_wait3A_213, %dma_wait3A_214] : memref<2x32x1x4x128xf32, #tpu.memory_space<vmem>> -> memref<1x32x1x4x128xf32, #tpu.memory_space<vmem>>
    %dma_wait3A_216 = tpu.memref_squeeze %dma_wait3A_215 : memref<1x32x1x4x128xf32, #tpu.memory_space<vmem>> -> memref<32x1x4x128xf32, #tpu.memory_space<vmem>>
    %dma_wait3A_217 = arith.constant 0 : i32
    %dma_wait3A_218 = arith.constant 0 : i32
    %dma_wait3A_219 = arith.constant 0 : i32
    %dma_wait3A_220 = tpu.memref_slice %arg7[%select_n3A_193, %dma_wait3A_217, %select_n3A_209, %dma_wait3A_218, %dma_wait3A_219] : memref<50x32x32x4x128xf32, #tpu.memory_space<hbm>> -> memref<1x32x1x4x128xf32, #tpu.memory_space<hbm>>
    %dma_wait3A_221 = tpu.memref_squeeze %dma_wait3A_220 : memref<1x32x1x4x128xf32, #tpu.memory_space<hbm>> -> memref<32x1x4x128xf32, #tpu.memory_space<hbm>>
    %dma_wait3A_222 = arith.constant 0 : i32
    %dma_wait3A_223 = arith.constant 0 : i32
    %dma_wait3A_224 = arith.constant 0 : i32
    %dma_wait3A_225 = tpu.memref_slice %arg7[%select_n3A_193, %dma_wait3A_222, %select_n3A_209, %dma_wait3A_223, %dma_wait3A_224] : memref<50x32x32x4x128xf32, #tpu.memory_space<hbm>> -> memref<1x32x1x4x128xf32, #tpu.memory_space<hbm>>
    %dma_wait3A_226 = tpu.memref_squeeze %dma_wait3A_225 : memref<1x32x1x4x128xf32, #tpu.memory_space<hbm>> -> memref<32x1x4x128xf32, #tpu.memory_space<hbm>>
    %dma_wait3A_227 = arith.constant 0 : i32
    %dma_wait3A_228 = arith.constant 0 : i32
    %dma_wait3A_229 = arith.constant 0 : i32
    %dma_wait3A_230 = arith.constant 0 : i32
    %dma_wait3A_231 = tpu.memref_slice %arg10[%dma_wait3A_210, %dma_wait3A_227, %dma_wait3A_228, %dma_wait3A_229, %dma_wait3A_230] : memref<2x32x1x4x128xf32, #tpu.memory_space<vmem>> -> memref<1x32x1x4x128xf32, #tpu.memory_space<vmem>>
    %dma_wait3A_232 = tpu.memref_squeeze %dma_wait3A_231 : memref<1x32x1x4x128xf32, #tpu.memory_space<vmem>> -> memref<32x1x4x128xf32, #tpu.memory_space<vmem>>
    tpu.wait_dma2 semaphore(%arg14 : memref<!tpu.dma_semaphore, #tpu.memory_space<semaphore_mem>>) src(%dma_wait3A_232 : memref<32x1x4x128xf32, #tpu.memory_space<vmem>>) dst(%dma_wait3A_226 : memref<32x1x4x128xf32, #tpu.memory_space<hbm>>)
    return
  }
}

</mosaic_0001>

<sc_bundles>
// kernel: kernel.3.cloned.1.call-start
scs
__scs_entry_jumppad:
0x0: {  	(pc) =	sbr.rel $0x88, $3  }
0x1: {  	(tag) =	ssettag $0x0;
	lr =	simm.s32 $0x1  }
0x2: {  	[smem:$0x3F9C] =	sst lr;
	_ =	strace $0xD0000000  }
0x3: {  	_ = 	snop  }
0x4: {  	_ = 	snop  }
0x5: {  	_ = 	snop  }
0x6: {  	_ = 	snop  }
0x7: {  	_ = 	snop  }
__scs_overlays_trampoline_lowered:
0x8: {  	[smem:$0x3FAB] =	sst s0  }
0x9: {  	[smem:$0x3FAC] =	sst s1  }
0xa: {  	[smem:$0x3FAD] =	sst s2  }
0xb: {  	[smem:$0x3FAE] =	sst s3  }
0xc: {  	[smem:$0x3FAF] =	sst s4  }
0xd: {  	[smem:$0x3FB0] =	sst s5  }
0xe: {  	[smem:$0x3FB1] =	sst s6  }
0xf: {  	[smem:$0x3FB2] =	sst s7  }
0x10: {  	[smem:$0x3FB3] =	sst s8  }
0x11: {  	[smem:$0x3FB4] =	sst s9;
	s0 =	simm.s32 @!p0 $0x0  }
0x12: {  	s1 =	sld [smem:$0x3F9A];
	s0 =	simm.s32 @p0 $0x1  }
0x13: {  	[smem:$0x3FB5] =	sst s0;
	s0 =	simm.s32 @!p1 $0x0  }
0x14: {  	s2 =	sld [smem:$0x3F99];
	s0 =	simm.s32 @p1 $0x1  }
0x15: {  	[smem:$0x3FB6] =	sst s0;
	s0 =	simm.s32 @!p2 $0x0  }
0x16: {  	s3 =	sld [smem:$0x3FDB];
	s0 =	simm.s32 @p2 $0x1  }
0x17: {  	s4 =	simm.s32 $0x1BF5;
	[smem:$0x3FB8] =	sst s0  }
0x18: {  	s0 =	sld [smem:$0x3F9B];
	_ =	swait.ge [sflag:s4], $0x0  }
0x19: {  	s7 =	sld [smem:$0x3F9C]  }
0x1a: {  	s8 =	sadd.s32 $0xFFFFE003, lr  }
0x1b: {  	s9 =	sadd.s32 $0xFFFFFEF7, lr;
	s5 =	simm.s32 $0xFFFFFFFF;
	p2 =	slt.u32 s8, $0xFFFFF086  }
0x1c: {  	p1 =	slt.u32 s9, $0xF7A;
	s5 =	simm.s32 @!p2 $0x0  }
0x1d: {  	s5 =	simm.s32 @p1 $0x1;
	p0 =	seq.s32 s7, s2  }
0x1e: {  	s7 =	smul.u32 @!p0 $0xF7A, s2;
	p2 =	seq.s32 @!p0 s5, $0x0  }
0x1f: {  	s9 =	smul.u32 $0xF7A, s1;
	s8 =	simm.s32 @!p0 $0x1BF5;
	p2 =	por !p2, p0  }
0x20: {  	[sflag:s8] =	ssyncset.s32 @!p0 $0xFFFFF086;
	s6 =	sadd.s32 @!p0 s3, s7;
	s7 =	simm.s32 @!p0 $0x108  }
0x21: {  	s3 =	sadd.s32 s3, s9;
	s6 =	sadd.s32 @!p0 $0x88, s6;
	s7 =	simm.s32 @p2 $0x1082  }
0x22: {  	[simem:s7], [sflag:s8] =	dma.local @!p0 [hbm:s6], $0xF7A  }
0x23: {  	s9 =	sor.u32 $0xD0000000, s2;
	s6 =	simm.s32 $0x108;
	_ =	swait.ge @!p0 [sflag:s8], $0x0  }
0x24: {  	s3 =	sadd.s32 $0x88, s3;
	s6 =	simm.s32 @!p1 $0x1082;
	[sflag:s4] =	ssyncset.s32 $0xFFFFF086  }
0x25: {  	[simem:s6], [sflag:s4] =	dma.local [hbm:s3], $0xF7A  }
0x26: {  	[smem:$0x3F9C] =	sst s1;
	(tag) =	ssettag s2;
	_ =	strace s9  }
0x27: {  	s1 =	sld [smem:$0x3FAC]  }
0x28: {  	s2 =	sld [smem:$0x3FAD]  }
0x29: {  	s4 =	sld [smem:$0x3FAF]  }
0x2a: {  	p0 =	seq.s32 s5, $0x0;
	s5 =	sld [smem:$0x3FB0]  }
0x2b: {  	s6 =	sld [smem:$0x3FB1]  }
0x2c: {  	s7 =	sld [smem:$0x3FB2]  }
0x2d: {  	s3 =	simm.s32 $0x108;
	s8 =	sld [smem:$0x3FB3]  }
0x2e: {  	s3 =	simm.s32 @!p0 $0x1082;
	s9 =	sld [smem:$0x3FB4]  }
0x2f: {  	lr =	sadd.s32 s0, s3;
	s0 =	sld [smem:$0x3FAB]  }
0x30: {  	s3 =	sld [smem:$0x3FAE]  }
0x31: {  	[smem:$0x3FB7] =	sst s10  }
0x32: {  	s10 =	sld [smem:$0x3FB5];
	_ =	sdelay $0x3  }
0x33: {  	p0 =	seq.s32 s10, $0x1;
	s10 =	sld [smem:$0x3FB7];
	_ =	sdelay $0x3  }
0x34: {  	[smem:$0x3FB7] =	sst s10  }
0x35: {  	s10 =	sld [smem:$0x3FB6];
	_ =	sdelay $0x3  }
0x36: {  	p1 =	seq.s32 s10, $0x1;
	s10 =	sld [smem:$0x3FB7];
	_ =	sdelay $0x3  }
0x37: {  	[smem:$0x3FB7] =	sst s10  }
0x38: {  	s10 =	sld [smem:$0x3FB8]  }
0x39: {  	_ = 	snop;
	(pc) =	sbr.ind lr, $3  }
0x3a: {  	_ = 	snop  }
0x3b: {  	_ = 	snop  }
0x3c: {  	p2 =	seq.s32 s10, $0x1;
	s10 =	sld [smem:$0x3FB7]  }
0x3d: {  	_ =	shalt  }
0x3e: {  	_ =	shalt  }
0x3f: {  	_ =	shalt  }
0x40: {  	_ =	shalt  }
0x41: {  	_ =	shalt  }
0x42: {  	_ =	shalt  }
0x43: {  	_ =	shalt  }
0x44: {  	_ =	shalt  }
0x45: {  	_ =	shalt  }
0x46: {  	_ =	shalt  }
0x47: {  	_ =	shalt  }
0x48: {  	_ =	shalt  }
0x49: {  	_ =	shalt  }
0x4a: {  	_ =	shalt  }
0x4b: {  	_ =	shalt  }
0x4c: {  	_ =	shalt  }
0x4d: {  	_ =	shalt  }
0x4e: {  	_ =	shalt  }
0x4f: {  	_ =	shalt  }
0x50: {  	_ =	shalt  }
0x51: {  	_ =	shalt  }
0x52: {  	_ =	shalt  }
0x53: {  	_ =	shalt  }
0x54: {  	_ =	shalt  }
0x55: {  	_ =	shalt  }
0x56: {  	_ =	shalt  }
0x57: {  	_ =	shalt  }
0x58: {  	_ =	shalt  }
0x59: {  	_ =	shalt  }
0x5a: {  	_ =	shalt  }
0x5b: {  	_ =	shalt  }
0x5c: {  	_ =	shalt  }
0x5d: {  	_ =	shalt  }
0x5e: {  	_ =	shalt  }
0x5f: {  	_ =	shalt  }
0x60: {  	_ =	shalt  }
0x61: {  	_ =	shalt  }
0x62: {  	_ =	shalt  }
0x63: {  	_ =	shalt  }
0x64: {  	_ =	shalt  }
0x65: {  	_ =	shalt  }
0x66: {  	_ =	shalt  }
0x67: {  	_ =	shalt  }
0x68: {  	_ =	shalt  }
0x69: {  	_ =	shalt  }
0x6a: {  	_ =	shalt  }
0x6b: {  	_ =	shalt  }
0x6c: {  	_ =	shalt  }
0x6d: {  	_ =	shalt  }
0x6e: {  	_ =	shalt  }
0x6f: {  	_ =	shalt  }
0x70: {  	_ =	shalt  }
0x71: {  	_ =	shalt  }
0x72: {  	_ =	shalt  }
0x73: {  	_ =	shalt  }
0x74: {  	_ =	shalt  }
0x75: {  	_ =	shalt  }
0x76: {  	_ =	shalt  }
0x77: {  	_ =	shalt  }
0x78: {  	_ =	shalt  }
0x79: {  	_ =	shalt  }
0x7a: {  	_ =	shalt  }
0x7b: {  	_ =	shalt  }
0x7c: {  	_ =	shalt  }
0x7d: {  	_ =	shalt  }
0x7e: {  	_ =	shalt  }
0x7f: {  	_ =	shalt  }
0x80: {  	_ =	shalt  }
0x81: {  	_ =	shalt  }
0x82: {  	_ =	shalt  }
0x83: {  	_ =	shalt  }
0x84: {  	_ =	shalt  }
0x85: {  	_ =	shalt  }
0x86: {  	_ =	shalt  }
0x87: {  	_ =	shalt  }
.Lfunc_end0:
.L_simem_size_0:
called_computation_lowered:
.L_overlay_start_0:
0x88: {  	s2 =	sld [smem:$0x3FD9]  }
0x89: {  	s3 =	sld [smem:$0x3FFE];
	_ =	sdelay $0x1  }
0x8a: {  	s1 =	srdreg.scid  }
0x8b: {  	s0 =	sand.u32 $0x1, s1  }
0x8c: {  	s17 =	sshll.u32 s0, $0xA;
	s2 =	sadd.s32 s3, s2  }
0x8d: {  	s2 =	sadd.s32 s2, s17  }
0x8e: {  	[smem:$0x3FC3] =	sst s2  }
0x8f: {  	_ = 	snop  }
0x90: {  	s2 =	sld [smem:$0x3FD0];
	(tm) =	ssettm $0x1  }
0x91: {  	s18 =	sld [smem:$0x3FFB];
	_ =	sdelay $0x3  }
0x92: {  	_ =	strace s18  }
0x93: {  	s3 =	sld [smem:$0x3FFC];
	_ =	sdelay $0x3  }
0x94: {  	_ =	strace s3  }
0x95: {  	s3 =	sld [smem:$0x3FFD];
	_ =	sdelay $0x3  }
0x96: {  	_ =	strace s3  }
0x97: {  	_ =	strace $0x8FFFFFFF  }
0x98: {  	s19 =	sld [smem:$0x3FDB];
	_ =	sdelay $0x1  }
0x99: {  	s4 =	simm.s32 $_scs_section_size  }
0x9a: {  	s5 =	simm.s32 $_size__tile_overlayer_lowered;
	s6 =	simm.s32 $_tile_overlayer_lowered  }
0x9b: {  	s22 =	simm.s32 $0x1BFF;
	s21 =	sshll.u32 s6, $0x1;
	s3 =	sadd.s32 s4, s19  }
0x9c: {  	s7 =	simm.s32 $0x0;
	s20 =	sshll.u32 s5, $0x1;
	s5 =	sadd.s32 s21, s3  }
0x9d: {  	[timem:s7], [sflag:s22] =	dma.local [hbm:s5], s20  }
0x9e: {  	_ =	swait.ge [sflag:s22], s20  }
0x9f: {  	s4 =	ssub.s32 $0x0, s20;
	[sflag:s22] =	ssyncset.done $0x0  }
0xa0: {  	[sflag:s22] =	ssyncadd.s32 s4;
	_ =	sdelay $0x1  }
0xa1: {  	s23 =	simm.s32 $0x1B8B  }
0xa2: {  	_ =	swait.ge [sflag:s23], $0x1  }
0xa3: {  	[sflag:s23] =	ssyncset.done $0x0  }
0xa4: {  	s25 =	simm.s32 $0x1B8E;
	s24 =	sld [smem:$0x3FFE];
	[sflag:s23] =	ssyncadd.s32 $0xFFFFFFFF  }
0xa5: {  	s26 =	simm.s32 $execute0_lowered;
	[smem:$0x3FD2] =	sst s25  }
0xa6: {  	s5 =	sshll.u32 s26, $0x1;
	_ =	strace $0x80000046;
	[dreg:$0x1] =	wrdreg $0xFFFFFFFF  }
0xa7: {  	s28 =	simm.s32 $_size_execute0_lowered;
	s3 =	sadd.s32 s3, s5;
	[dreg:$0x0] =	wrdreg $0x0  }
0xa8: {  	s5 =	sshll.u32 s28, $0x1;
	[dreg:$0x2] =	wrdreg s3  }
0xa9: {  	[dreg:$0x3] =	wrdreg s5  }
0xaa: {  	[dreg:$0x4] =	wrdreg $0xC0  }
0xab: {  	_ =	task [dreg:s7], $0x5FFFF  }
0xac: {  	[dreg:$0x1] =	wrdreg $0xFFFFFFFF  }
0xad: {  	[dreg:$0x0] =	wrdreg $0x60  }
0xae: {  	[dreg:$0x2] =	wrdreg s24  }
0xaf: {  	[dreg:$0x3] =	wrdreg s2  }
0xb0: {  	[dreg:$0x4] =	wrdreg $0x9  }
0xb1: {  	_ =	task.clear_ibuf [dreg:s7], $0x5FFFF;
	_ =	strace $0x90000046  }
0xb2: {  	s29 =	simm.s32 $0x9;
	_ =	strace $0x80000048  }
0xb3: {  	_ =	swait.ge [sflag:s29], $0x1  }
0xb4: {  	[sflag:s29] =	ssyncadd.s32 $0xFFFFFFFF  }
0xb5: {  	_ =	strace $0x90000048  }
0xb6: {  	_ =	sfence  }
0xb7: {  	s30 =	sld [smem:$0x0];
	_ =	sdelay $0x2  }
0xb8: {  	s31 =	sshll.u32 s1, $0xD;
	s1 =	sshrl.u32 s1, $0x2  }
0xb9: {  	s3 =	sand.u32 $0x4000, s31;
	s1 =	sadd.s32 s1, s30  }
0xba: {  	s0 =	sor.u32 s3, s0;
	s1 =	sshll.u32 s1, $0x11  }
0xbb: {  	s0 =	sor.u32 s1, s0  }
0xbc: {  	s0 =	sadd.s32 $0x8F2B, s0  }
0xbd: {  	[sflag:s0] =	ssyncadd.remote.s32 $0x1  }
0xbe: {  	_ =	sfence.sel $0xFFFF  }
0xbf: {  	[dreg:$0x0] =	wrdreg $0xFFFFFFFF;
	(pc) =	sbr.abs _section_cstart, $3  }
0xc0: {  	[dreg:$0x1] =	wrdreg $0xFFFFFFFF  }
0xc1: {  	_ =	task.clear_ibuf [dreg:s7], $0x2FFFF;
	_ =	strace $0x9FFFFFFF  }
0xc2: {  	(tm) =	ssettm $0x7FFFFFFF  }
0xc3: {  	_ =	shalt  }
tec
execute0_lowered:
.L_overlay_start_1:
0x0: {  	(tag) =	ssettag $0x1  }
0x1: {  	s0 =	rddreg [dreg:$0x0]  }
0x2: {  	s1 =	srdreg.scid;
	s3 =	stileid.u32  }
0x3: {  	s2 =	rddreg [dreg:$0x1];
	s11 =	simm.s32 $0x5;
	s12 =	simm.s32 $0x80  }
0x4: {  	s17 =	simm.s32 $0x5900;
	s18 =	simm.s32 $0x6900;
	s19 =	simm.s32 $0x7900  }
0x5: {  	s20 =	simm.s32 $0x8900;
	s21 =	simm.s32 $0x1;
	s22 =	simm.s32 $0x9900  }
0x6: {  	s23 =	simm.s32 $0x200;
	s24 =	simm.s32 $0x4000;
	s25 =	simm.s32 $0x2  }
0x7: {  	s28 =	simm.s32 $0x3;
	s1 =	sand.u32 $0x1, s1;
	s4 =	sshll.u32 s3, $0x1  }
0x8: {  	s29 =	simm.s32 $0x4;
	s30 =	simm.s32 $0x0;
	s9 =	sor.u32 s1, s4  }
0x9: {  	v0 =	vlaneseq.u32;
	s3 =	simm.s32 $0x0;
	s5 =	sadd.s32 $0x16E3E00, s0;
	s4 =	smul.u32 $0x320, s9  }
.Ltmp0:
0xa: {  	s6 =	sadd.s32 $0x1313400, s0;
	v0 =	vmul.u32 $0x200, v0;
	[smem:$0x7FF] =	sst s3;
	(pc) =	sbr.rel .LBB2_1-.Ltmp0, $4  }
0xb: {  	s7 =	sadd.s32 $0xF42A00, s0;
	s1 =	ssub.s32 $0x2, s1;
	_ =	strace $0x80000047  }
0xc: {  	s10 =	sshrl.u32 s1, $0x1;
	s9 =	smul.u32 $0x32, s9;
	v1 =	vor.u32 $0x2000, v0;
	s8 =	sadd.s32 s4, s0  }
0xd: {  	v2 =	vor.u32 $0x80, v0;
	v3 =	vor.u32 $0x2080, v0;
	v4 =	vor.u32 $0x100, v0;
	s26 =	ssub.s32 s1, s10;
	s4 =	sadd.s32 $0x1AB4800, s0;
	s31 =	sadd.s32 $0x600, s8  }
0xe: {  	v5 =	vor.u32 $0x2100, v0;
	v6 =	vor.u32 $0x180, v0;
	v7 =	vor.u32 $0x2180, v0;
	s10 =	smax.u32 s26, $0x1;
	s26 =	simm.s32 $0xD900;
	[dreg:$0x3] =	wrdreg s31  }
.LBB2_8:
0xf: {  	s30 =	sadd.s32 $0x1, s30  }
0x10: {  	_ =	swait.ge [sflag:s28], $0x4000;
	p0 =	sne.s32 s30, s10  }
.Ltmp1:
0x11: {  	[sflag:s28] =	ssyncset.done $0x0;
	(pc) =	sbr.rel @!p0 .LBB2_9-.Ltmp1, $4  }
0x12: {  	[sflag:s28] =	ssyncadd.s32 $0xFFFFC000  }
0x13: {  	_ =	swait.ge [sflag:s29], $0x4000  }
0x14: {  	[sflag:s29] =	ssyncset.done $0x0  }
0x15: {  	[sflag:s29] =	ssyncadd.s32 $0xFFFFC000  }
.LBB2_1:
0x16: {  	s0 =	rddreg [dreg:$0x3]  }
0x17: {  	[tilespmem:s3], [sflag:$0x5] =	stream.linear.gather [hbm4b:s0+s3], $0x1900, $0x38;
	[tilespmem:$0x11900] =	vst v63  }
0x18: {  	_ =	swait.ge [sflag:s11], $0x1900  }
0x19: {  	[sflag:s11] =	ssyncset.done $0x0  }
0x1a: {  	s13 =	simm.s32 $0x1900;
	[sflag:s11] =	ssyncadd.s32 $0xFFFFE700  }
0x1b: {  	[tilespmem:s13], [sflag:$0x1] =	stream.indirect.gather [hbm4b:s4+s12], $0x20, s3, s12, $0xb8;
	[tilespmem:$0x11900] =	vst v63  }
0x1c: {  	s14 =	simm.s32 $0x2900  }
0x1d: {  	[tilespmem:s14], [sflag:$0x1] =	stream.indirect.gather [hbm4b:s5+s12], $0x20, s3, s12, $0xb8;
	[tilespmem:$0x11900] =	vst v63  }
0x1e: {  	s15 =	simm.s32 $0x3900  }
0x1f: {  	[tilespmem:s15], [sflag:$0x1] =	stream.indirect.gather [hbm4b:s6+s12], $0x20, s3, s12, $0xb8;
	[tilespmem:$0x11900] =	vst v63  }
0x20: {  	s16 =	simm.s32 $0x4900  }
0x21: {  	[tilespmem:s16], [sflag:$0x1] =	stream.indirect.gather [hbm4b:s7+s12], $0x20, s3, s12, $0xb8;
	[tilespmem:$0x11900] =	vst v63  }
0x22: {  	_ = 	snop  }
0x23: {  	[tilespmem:s17], [sflag:$0x2] =	stream.indirect.gather [hbm4b:s4+s12], $0x20, s12, s12, $0xb8;
	[tilespmem:$0x11900] =	vst v63  }
0x24: {  	_ = 	snop  }
0x25: {  	[tilespmem:s18], [sflag:$0x2] =	stream.indirect.gather [hbm4b:s5+s12], $0x20, s12, s12, $0xb8;
	[tilespmem:$0x11900] =	vst v63  }
0x26: {  	_ = 	snop  }
0x27: {  	[tilespmem:s19], [sflag:$0x2] =	stream.indirect.gather [hbm4b:s6+s12], $0x20, s12, s12, $0xb8;
	[tilespmem:$0x11900] =	vst v63  }
0x28: {  	s31 =	simm.s32 $0x0  }
0x29: {  	[tilespmem:s20], [sflag:$0x2] =	stream.indirect.gather [hbm4b:s7+s12], $0x20, s12, s12, $0xb8;
	[tilespmem:$0x11900] =	vst v63  }
.LBB2_2:
0x2a: {  	_ =	swait.ge [sflag:s21], $0x1000  }
0x2b: {  	[sflag:s21] =	ssyncset.done $0x0  }
0x2c: {  	[sflag:s21] =	ssyncadd.s32 $0xFFFFF000  }
0x2d: {  	_ =	swait.ge [sflag:s21], $0x1000  }
0x2e: {  	[sflag:s21] =	ssyncset.done $0x0  }
0x2f: {  	[sflag:s21] =	ssyncadd.s32 $0xFFFFF000  }
0x30: {  	_ =	swait.ge [sflag:s21], $0x1000  }
0x31: {  	[sflag:s21] =	ssyncset.done $0x0  }
0x32: {  	[sflag:s21] =	ssyncadd.s32 $0xFFFFF000  }
0x33: {  	_ =	swait.ge [sflag:s21], $0x1000  }
0x34: {  	p0 =	seq.s32 s31, $0x0;
	s0 =	simm.s32 $0x3;
	[sflag:s21] =	ssyncset.done $0x0  }
0x35: {  	s13 =	simm.s32 $0x0;
	s1 =	simm.s32 @!p0 $0x3;
	v8 =	vmov s0;
	[sflag:s21] =	ssyncadd.s32 $0xFFFFF000  }
0x36: {  	v9 =	vmov s13;
	v8 =	vand.u32 $0x7F, v8;
	_ =	swait.ge @!p0 [sflag:s1], $0x4000  }
0x37: {  	s16 =	simm.s32 $0x1;
	v9 =	vand.u32 $0x7C, v9;
	v15 =	vbroadcast v8, $0x0;
	[sflag:s1] =	ssyncset.done @!p0 $0x0  }
0x38: {  	s13 =	simm.s32 $0x3900;
	v10 =	vbroadcast v9, $0x0;
	v8 =	vmov s16;
	[sflag:s1] =	ssyncadd.s32 @!p0 $0xFFFFC000  }
0x39: {  	v8 =	vand.u32 $0x7D, v8;
	v12 =	vor.u32 v0, v15;
	s1 =	simm.s32 $0x2;
	v9 =	vld [tilespmem:s13+$0xFFFFE060]  }
0x3a: {  	v16 =	vor.u32 v0, v10;
	v14 =	vbroadcast v8, $0x0;
	v11 =	vmov s1;
	v13 =	vld [tilespmem:s13+$0xFFFFE000]  }
0x3b: {  	v8 =	vand.u32 $0x7E, v11  }
0x3c: {  	v17 =	vor.u32 v0, v14;
	v11 =	vbroadcast v8, $0x0;
	v8 =	vld [tilespmem:s13+$0xFFFFE020];
	_ =	sdelay $0x1  }
0x3d: {  	v18 =	vld [tilespmem:s13+$0xFFFFE040];
	v19 =	vor.u32 v0, v11;
	[tilespmem:v12+s22+$0x0] =	vst.idx.msk $0xffff, v9  }
0x3e: {  	[tilespmem:v16+s22+$0x0] =	vst.idx.msk $0xffff, v13;
	v12 =	vor.u32 v1, v15;
	v9 =	vld [tilespmem:s13+$0xFFFFE070]  }
0x3f: {  	v16 =	vor.u32 v1, v10;
	v13 =	vld [tilespmem:s13+$0xFFFFE010]  }
0x40: {  	[tilespmem:v17+s22+$0x0] =	vst.idx.msk $0xffff, v8  }
0x41: {  	v17 =	vor.u32 v1, v14;
	v8 =	vld [tilespmem:s13+$0xFFFFE030]  }
0x42: {  	[tilespmem:v19+s22+$0x0] =	vst.idx.msk $0xffff, v18  }
0x43: {  	v19 =	vor.u32 v1, v11;
	v18 =	vld [tilespmem:s13+$0xFFFFE050];
	[tilespmem:v12+s22+$0x0] =	vst.idx.msk $0xffff, v9  }
0x44: {  	[tilespmem:v16+s22+$0x0] =	vst.idx.msk $0xffff, v13;
	v12 =	vor.u32 v2, v15;
	v9 =	vld [tilespmem:s13+$0xFFFFF060]  }
0x45: {  	v16 =	vor.u32 v2, v10;
	v13 =	vld [tilespmem:s13+$0xFFFFF000]  }
0x46: {  	[tilespmem:v17+s22+$0x0] =	vst.idx.msk $0xffff, v8  }
0x47: {  	v17 =	vor.u32 v2, v14;
	v8 =	vld [tilespmem:s13+$0xFFFFF020]  }
0x48: {  	[tilespmem:v19+s22+$0x0] =	vst.idx.msk $0xffff, v18  }
0x49: {  	v19 =	vor.u32 v2, v11;
	v18 =	vld [tilespmem:s13+$0xFFFFF040];
	[tilespmem:v12+s22+$0x0] =	vst.idx.msk $0xffff, v9  }
0x4a: {  	[tilespmem:v16+s22+$0x0] =	vst.idx.msk $0xffff, v13;
	v12 =	vor.u32 v3, v15;
	v9 =	vld [tilespmem:s13+$0xFFFFF070]  }
0x4b: {  	v16 =	vor.u32 v3, v10;
	v13 =	vld [tilespmem:s13+$0xFFFFF010]  }
0x4c: {  	[tilespmem:v17+s22+$0x0] =	vst.idx.msk $0xffff, v8  }
0x4d: {  	v17 =	vor.u32 v3, v14;
	v8 =	vld [tilespmem:s13+$0xFFFFF030]  }
0x4e: {  	[tilespmem:v19+s22+$0x0] =	vst.idx.msk $0xffff, v18  }
0x4f: {  	v19 =	vor.u32 v3, v11;
	v18 =	vld [tilespmem:s13+$0xFFFFF050];
	[tilespmem:v12+s22+$0x0] =	vst.idx.msk $0xffff, v9  }
0x50: {  	[tilespmem:v16+s22+$0x0] =	vst.idx.msk $0xffff, v13;
	v12 =	vor.u32 v4, v15;
	v9 =	vld [tilespmem:s13+$0x60]  }
0x51: {  	v20 =	vor.u32 v4, v10;
	v16 =	vld [tilespmem:s13+$0x0]  }
0x52: {  	s14 =	simm.s32 $0x7;
	[tilespmem:v17+s22+$0x0] =	vst.idx.msk $0xffff, v8  }
0x53: {  	s8 =	simm.s32 $0x4;
	v13 =	vmov s14;
	v17 =	vor.u32 v4, v14;
	v21 =	vld [tilespmem:s13+$0x20]  }
0x54: {  	v13 =	vand.u32 $0x7F, v13;
	v8 =	vmov s8;
	[tilespmem:v19+s22+$0x0] =	vst.idx.msk $0xffff, v18  }
0x55: {  	s15 =	simm.s32 $0x5;
	v13 =	vbroadcast v13, $0x0;
	v8 =	vand.u32 $0x7C, v8;
	v18 =	vor.u32 v4, v11;
	v19 =	vld [tilespmem:s13+$0x40];
	[tilespmem:v12+s22+$0x0] =	vst.idx.msk $0xffff, v9  }
0x56: {  	v22 =	vmov s15;
	s0 =	simm.s32 $0x3980;
	s16 =	simm.s32 $0x6;
	v8 =	vbroadcast v8, $0x0;
	[tilespmem:v20+s22+$0x0] =	vst.idx.msk $0xffff, v16;
	v20 =	vor.u32 v5, v15;
	v16 =	vld [tilespmem:s13+$0x70]  }
0x57: {  	v24 =	vld [tilespmem:s0+$0xFFFFE060];
	v25 =	vor.u32 v0, v13;
	v12 =	vmov s16;
	v9 =	vand.u32 $0x7D, v22  }
0x58: {  	v9 =	vbroadcast v9, $0x0;
	v12 =	vand.u32 $0x7E, v12;
	[tilespmem:v17+s22+$0x0] =	vst.idx.msk $0xffff, v21;
	v17 =	vld [tilespmem:s0+$0xFFFFE000];
	v21 =	vor.u32 v0, v8  }
0x59: {  	v23 =	vor.u32 v5, v10;
	v22 =	vld [tilespmem:s13+$0x10];
	v12 =	vbroadcast v12, $0x0  }
0x5a: {  	[tilespmem:v18+s22+$0x0] =	vst.idx.msk $0xffff, v19;
	v18 =	vld [tilespmem:s0+$0xFFFFE020];
	v19 =	vor.u32 v0, v9  }
0x5b: {  	v26 =	vld [tilespmem:s0+$0xFFFFE040];
	v27 =	vor.u32 v0, v12;
	[tilespmem:v20+s22+$0x0] =	vst.idx.msk $0xffff, v16  }
0x5c: {  	[tilespmem:v25+s22+$0x0] =	vst.idx.msk $0xffff, v24;
	v20 =	vor.u32 v6, v15;
	v16 =	vld [tilespmem:s13+$0x1060]  }
0x5d: {  	[tilespmem:v21+s22+$0x0] =	vst.idx.msk $0xffff, v17;
	v17 =	vld [tilespmem:s0+$0xFFFFE070];
	v21 =	vor.u32 v1, v13  }
0x5e: {  	[tilespmem:v23+s22+$0x0] =	vst.idx.msk $0xffff, v22;
	v22 =	vld [tilespmem:s13+$0x30];
	v23 =	vor.u32 v5, v14  }
0x5f: {  	v25 =	vor.u32 v1, v8;
	v24 =	vld [tilespmem:s0+$0xFFFFE010];
	[tilespmem:v19+s22+$0x0] =	vst.idx.msk $0xffff, v18  }
0x60: {  	v19 =	vor.u32 v1, v9;
	[tilespmem:v27+s22+$0x0] =	vst.idx.msk $0xffff, v26;
	v18 =	vld [tilespmem:s0+$0xFFFFE030]  }
0x61: {  	v27 =	vor.u32 v1, v12;
	v26 =	vld [tilespmem:s0+$0xFFFFE050];
	[tilespmem:v20+s22+$0x0] =	vst.idx.msk $0xffff, v16  }
0x62: {  	[tilespmem:v21+s22+$0x0] =	vst.idx.msk $0xffff, v17;
	v17 =	vld [tilespmem:s13+$0x50];
	v20 =	vor.u32 v5, v11  }
0x63: {  	v15 =	vor.u32 v7, v15;
	[tilespmem:v23+s22+$0x0] =	vst.idx.msk $0xffff, v22;
	v16 =	vld [tilespmem:s13+$0x1070]  }
0x64: {  	v22 =	vor.u32 v2, v13;
	[tilespmem:v25+s22+$0x0] =	vst.idx.msk $0xffff, v24;
	v21 =	vld [tilespmem:s0+$0xFFFFF060]  }
0x65: {  	v24 =	vor.u32 v2, v8;
	v23 =	vld [tilespmem:s0+$0xFFFFF000];
	[tilespmem:v19+s22+$0x0] =	vst.idx.msk $0xffff, v18  }
0x66: {  	v19 =	vor.u32 v2, v9;
	[tilespmem:v27+s22+$0x0] =	vst.idx.msk $0xffff, v26;
	v18 =	vld [tilespmem:s0+$0xFFFFF020]  }
0x67: {  	v26 =	vor.u32 v2, v12;
	v25 =	vld [tilespmem:s0+$0xFFFFF040];
	[tilespmem:v20+s22+$0x0] =	vst.idx.msk $0xffff, v17  }
0x68: {  	[tilespmem:v15+s22+$0x0] =	vst.idx.msk $0xffff, v16;
	v15 =	vld [tilespmem:s13+$0x1020];
	v16 =	vor.u32 v6, v14  }
0x69: {  	v20 =	vor.u32 v6, v11;
	[tilespmem:v22+s22+$0x0] =	vst.idx.msk $0xffff, v21;
	v17 =	vld [tilespmem:s13+$0x1040]  }
0x6a: {  	v22 =	vor.u32 v3, v13;
	[tilespmem:v24+s22+$0x0] =	vst.idx.msk $0xffff, v23;
	v21 =	vld [tilespmem:s0+$0xFFFFF070]  }
0x6b: {  	v24 =	vor.u32 v3, v8;
	v23 =	vld [tilespmem:s0+$0xFFFFF010];
	[tilespmem:v19+s22+$0x0] =	vst.idx.msk $0xffff, v18  }
0x6c: {  	v27 =	vor.u32 v3, v9;
	[tilespmem:v26+s22+$0x0] =	vst.idx.msk $0xffff, v25;
	v18 =	vld [tilespmem:s0+$0xFFFFF030]  }
0x6d: {  	v28 =	vor.u32 v3, v12;
	v26 =	vld [tilespmem:s0+$0xFFFFF050];
	[tilespmem:v16+s22+$0x0] =	vst.idx.msk $0xffff, v15  }
0x6e: {  	v29 =	vor.u32 v6, v10;
	v15 =	vld [tilespmem:s13+$0x1000];
	[tilespmem:v20+s22+$0x0] =	vst.idx.msk $0xffff, v17  }
0x6f: {  	v25 =	vor.u32 v7, v14;
	[tilespmem:v22+s22+$0x0] =	vst.idx.msk $0xffff, v21;
	v17 =	vld [tilespmem:s13+$0x1030]  }
0x70: {  	[tilespmem:v24+s22+$0x0] =	vst.idx.msk $0xffff, v23;
	v16 =	vld [tilespmem:s0+$0x60];
	v24 =	vor.u32 v4, v13  }
0x71: {  	v23 =	vor.u32 v4, v8;
	v19 =	vld [tilespmem:s0+$0x0];
	[tilespmem:v27+s22+$0x0] =	vst.idx.msk $0xffff, v18  }
0x72: {  	s14 =	simm.s32 $0x8;
	v20 =	vor.u32 v4, v9;
	[tilespmem:v28+s22+$0x0] =	vst.idx.msk $0xffff, v26;
	v18 =	vld [tilespmem:s0+$0x20]  }
0x73: {  	s15 =	simm.s32 $0xC;
	s1 =	sshll.u32 s31, $0x1;
	s16 =	simm.s32 $0xB;
	v22 =	vor.u32 v4, v12;
	v26 =	vmov s14;
	v21 =	vld [tilespmem:s0+$0x40];
	[tilespmem:v29+s22+$0x0] =	vst.idx.msk $0xffff, v15  }
.LBB2_3:
0x74: {  	p1 =	slt.u32 s15, $0x7C;
	v14 =	vand.u32 $0x7C, v26;
	s8 =	sadd.s32 $0x1, s14;
	v15 =	vmov s16;
	[tilespmem:v25+s22+$0x0] =	vst.idx.msk $0xffff, v17;
	v17 =	vld [tilespmem:s13+$0x1050];
	v25 =	vor.u32 v7, v11;
	v11 =	vmovc v12  }
0x75: {  	v12 =	vmov s8;
	s8 =	sadd.s32 $0x2, s14;
	v15 =	vand.u32 $0x7F, v15;
	[tilespmem:v24+s22+$0x0] =	vst.idx.msk $0xffff, v16;
	v16 =	vld [tilespmem:s13+$0x1010];
	v24 =	vor.u32 v7, v10;
	v10 =	vmovc v8;
	s13 =	smov.u32 s0;
	s14 =	smov.u32 s15  }
0x76: {  	v26 =	vmov s8;
	v15 =	vbroadcast v15, $0x0;
	[tilespmem:v23+s22+$0x0] =	vst.idx.msk $0xffff, v19;
	v19 =	vld [tilespmem:s0+$0x70];
	v23 =	vor.u32 v5, v13  }
0x77: {  	v8 =	vbroadcast v14, $0x0;
	v12 =	vand.u32 $0x7D, v12;
	v27 =	vor.u32 v5, v10;
	s0 =	sadd.s32 $0x80, s0;
	v14 =	vld [tilespmem:s13+$0x10];
	[tilespmem:v20+s22+$0x0] =	vst.idx.msk $0xffff, v18  }
0x78: {  	v18 =	vbroadcast v12, $0x0;
	v12 =	vand.u32 $0x7E, v26;
	v20 =	vld [tilespmem:s0+$0xFFFFE060];
	v26 =	vor.u32 v0, v15;
	[tilespmem:v22+s22+$0x0] =	vst.idx.msk $0xffff, v21  }
0x79: {  	v22 =	vor.u32 v0, v8;
	v12 =	vbroadcast v12, $0x0;
	v21 =	vld [tilespmem:s0+$0xFFFFE000];
	[tilespmem:v25+s22+$0x0] =	vst.idx.msk $0xffff, v17  }
0x7a: {  	v25 =	vor.u32 v0, v18;
	v17 =	vld [tilespmem:s0+$0xFFFFE020];
	[tilespmem:v24+s22+$0x0] =	vst.idx.msk $0xffff, v16  }
0x7b: {  	v24 =	vor.u32 v0, v12;
	v16 =	vld [tilespmem:s0+$0xFFFFE040];
	[tilespmem:v23+s22+$0x0] =	vst.idx.msk $0xffff, v19  }
0x7c: {  	v19 =	vor.u32 v6, v13;
	[tilespmem:v27+s22+$0x0] =	vst.idx.msk $0xffff, v14;
	v14 =	vld [tilespmem:s13+$0x1060]  }
0x7d: {  	v23 =	vor.u32 v5, v9;
	[tilespmem:v26+s22+$0x0] =	vst.idx.msk $0xffff, v20;
	v20 =	vld [tilespmem:s13+$0x30]  }
0x7e: {  	[tilespmem:v22+s22+$0x0] =	vst.idx.msk $0xffff, v21;
	v21 =	vld [tilespmem:s0+$0xFFFFE070];
	v22 =	vor.u32 v1, v15  }
0x7f: {  	v27 =	vor.u32 v1, v8;
	v26 =	vld [tilespmem:s0+$0xFFFFE010];
	[tilespmem:v25+s22+$0x0] =	vst.idx.msk $0xffff, v17  }
0x80: {  	v25 =	vor.u32 v1, v18;
	v17 =	vld [tilespmem:s0+$0xFFFFE030];
	[tilespmem:v24+s22+$0x0] =	vst.idx.msk $0xffff, v16  }
0x81: {  	v24 =	vor.u32 v1, v12;
	v16 =	vld [tilespmem:s0+$0xFFFFE050];
	[tilespmem:v19+s22+$0x0] =	vst.idx.msk $0xffff, v14  }
0x82: {  	v19 =	vor.u32 v7, v13;
	v13 =	vmov v15;
	[tilespmem:v23+s22+$0x0] =	vst.idx.msk $0xffff, v20;
	v14 =	vld [tilespmem:s13+$0x1070]  }
0x83: {  	v20 =	vor.u32 v5, v11;
	[tilespmem:v22+s22+$0x0] =	vst.idx.msk $0xffff, v21;
	v15 =	vld [tilespmem:s13+$0x50]  }
0x84: {  	v22 =	vor.u32 v2, v13;
	[tilespmem:v27+s22+$0x0] =	vst.idx.msk $0xffff, v26;
	v21 =	vld [tilespmem:s0+$0xFFFFF060]  }
0x85: {  	v26 =	vor.u32 v2, v8;
	v23 =	vld [tilespmem:s0+$0xFFFFF000];
	[tilespmem:v25+s22+$0x0] =	vst.idx.msk $0xffff, v17  }
0x86: {  	v25 =	vor.u32 v2, v18;
	v17 =	vld [tilespmem:s0+$0xFFFFF020];
	[tilespmem:v24+s22+$0x0] =	vst.idx.msk $0xffff, v16  }
0x87: {  	v24 =	vor.u32 v2, v12;
	v16 =	vld [tilespmem:s0+$0xFFFFF040];
	[tilespmem:v19+s22+$0x0] =	vst.idx.msk $0xffff, v14  }
0x88: {  	v19 =	vor.u32 v6, v9;
	v14 =	vld [tilespmem:s13+$0x1020];
	[tilespmem:v20+s22+$0x0] =	vst.idx.msk $0xffff, v15  }
0x89: {  	v20 =	vor.u32 v6, v11;
	[tilespmem:v22+s22+$0x0] =	vst.idx.msk $0xffff, v21;
	v15 =	vld [tilespmem:s13+$0x1040]  }
0x8a: {  	v22 =	vor.u32 v3, v13;
	[tilespmem:v26+s22+$0x0] =	vst.idx.msk $0xffff, v23;
	v21 =	vld [tilespmem:s0+$0xFFFFF070]  }
0x8b: {  	v26 =	vor.u32 v3, v8;
	v23 =	vld [tilespmem:s0+$0xFFFFF010];
	[tilespmem:v25+s22+$0x0] =	vst.idx.msk $0xffff, v17  }
0x8c: {  	v28 =	vor.u32 v3, v18;
	v27 =	vld [tilespmem:s0+$0xFFFFF030];
	[tilespmem:v24+s22+$0x0] =	vst.idx.msk $0xffff, v16  }
0x8d: {  	v30 =	vor.u32 v3, v12;
	v29 =	vld [tilespmem:s0+$0xFFFFF050];
	[tilespmem:v19+s22+$0x0] =	vst.idx.msk $0xffff, v14  }
0x8e: {  	v31 =	vor.u32 v6, v10;
	v14 =	vld [tilespmem:s13+$0x1000];
	[tilespmem:v20+s22+$0x0] =	vst.idx.msk $0xffff, v15  }
.Ltmp2:
0x8f: {  	v25 =	vor.u32 v7, v9;
	v9 =	vmov v18;
	[tilespmem:v22+s22+$0x0] =	vst.idx.msk $0xffff, v21;
	v17 =	vld [tilespmem:s13+$0x1030];
	(pc) =	sbr.rel @p1 .LBB2_3-.Ltmp2, $4  }
0x90: {  	v24 =	vor.u32 v4, v13;
	[tilespmem:v26+s22+$0x0] =	vst.idx.msk $0xffff, v23;
	v16 =	vld [tilespmem:s0+$0x60]  }
0x91: {  	v23 =	vor.u32 v4, v8;
	v19 =	vld [tilespmem:s0+$0x0];
	[tilespmem:v28+s22+$0x0] =	vst.idx.msk $0xffff, v27  }
0x92: {  	v20 =	vor.u32 v4, v9;
	v18 =	vld [tilespmem:s0+$0x20];
	[tilespmem:v30+s22+$0x0] =	vst.idx.msk $0xffff, v29  }
0x93: {  	s15 =	sadd.s32 $0x4, s15;
	s16 =	sadd.s32 $0x3, s14;
	v22 =	vor.u32 v4, v12;
	v26 =	vmov s14;
	v21 =	vld [tilespmem:s0+$0x40];
	[tilespmem:v31+s22+$0x0] =	vst.idx.msk $0xffff, v14  }
0x94: {  	_ =	sdelay $0x2  }
0x95: {  	v14 =	vmov s16;
	v26 =	vand.u32 $0x7C, v26  }
0x96: {  	s8 =	sadd.s32 $0x1, s14;
	s16 =	sadd.s32 $0x2, s14;
	v14 =	vand.u32 $0x7F, v14;
	[tilespmem:v24+s22+$0x0] =	vst.idx.msk $0xffff, v16;
	v16 =	vbroadcast v26, $0x0  }
0x97: {  	[tilespmem:v25+s22+$0x0] =	vst.idx.msk $0xffff, v17;
	v27 =	vmov s8;
	v28 =	vmov s16;
	s8 =	sadd.s32 $0x80, s0;
	v15 =	vbroadcast v14, $0x0  }
0x98: {  	v14 =	vand.u32 $0x7D, v27;
	v27 =	vand.u32 $0x7E, v28;
	[tilespmem:v20+s22+$0x0] =	vst.idx.msk $0xffff, v18;
	v18 =	vld [tilespmem:s8+$0xFFFFE000];
	v20 =	vor.u32 v0, v16  }
0x99: {  	v11 =	vor.u32 v7, v11;
	v17 =	vbroadcast v27, $0x0;
	[tilespmem:v22+s22+$0x0] =	vst.idx.msk $0xffff, v21;
	v21 =	vld [tilespmem:s13+$0x1050]  }
0x9a: {  	v10 =	vor.u32 v7, v10;
	v22 =	vld [tilespmem:s13+$0x1010]  }
0x9b: {  	[tilespmem:v23+s22+$0x0] =	vst.idx.msk $0xffff, v19;
	v19 =	vld [tilespmem:s8+$0xFFFFE040];
	v14 =	vbroadcast v14, $0x0;
	v23 =	vor.u32 v0, v17  }
0x9c: {  	v25 =	vld [tilespmem:s8+$0xFFFFE060];
	v62 =	vor.u32 v0, v15  }
0x9d: {  	v24 =	vld [tilespmem:s8+$0xFFFFE020];
	v26 =	vor.u32 v0, v14;
	[tilespmem:v20+s22+$0x0] =	vst.idx.msk $0xffff, v18  }
0x9e: {  	v20 =	vor.u32 v1, v16;
	[tilespmem:v11+s22+$0x0] =	vst.idx.msk $0xffff, v21;
	v11 =	vld [tilespmem:s8+$0xFFFFE010]  }
0x9f: {  	[tilespmem:v10+s22+$0x0] =	vst.idx.msk $0xffff, v22;
	v10 =	vld [tilespmem:s0+$0x10];
	v22 =	vor.u32 v5, v8  }
0xa0: {  	v21 =	vld [tilespmem:s0+$0x70];
	[tilespmem:v23+s22+$0x0] =	vst.idx.msk $0xffff, v19;
	v23 =	vor.u32 v5, v13  }
0xa1: {  	[tilespmem:v62+s22+$0x0] =	vst.idx.msk $0xffff, v25;
	v19 =	vor.u32 v1, v17;
	v18 =	vld [tilespmem:s8+$0xFFFFE050]  }
0xa2: {  	[tilespmem:v26+s22+$0x0] =	vst.idx.msk $0xffff, v24  }
0xa3: {  	v27 =	vor.u32 v1, v15;
	v25 =	vld [tilespmem:s8+$0xFFFFE070];
	[tilespmem:v20+s22+$0x0] =	vst.idx.msk $0xffff, v11  }
0xa4: {  	v26 =	vor.u32 v1, v14;
	v24 =	vld [tilespmem:s8+$0xFFFFE030];
	[tilespmem:v22+s22+$0x0] =	vst.idx.msk $0xffff, v10  }
0xa5: {  	v22 =	vld [tilespmem:s0+$0x30];
	[tilespmem:v23+s22+$0x0] =	vst.idx.msk $0xffff, v21;
	v23 =	vor.u32 v5, v9  }
0xa6: {  	v20 =	vor.u32 v2, v16;
	[tilespmem:v19+s22+$0x0] =	vst.idx.msk $0xffff, v18;
	v19 =	vld [tilespmem:s8+$0xFFFFF000]  }
0xa7: {  	v21 =	vor.u32 v6, v13;
	v10 =	vld [tilespmem:s0+$0x1060]  }
0xa8: {  	[tilespmem:v27+s22+$0x0] =	vst.idx.msk $0xffff, v25  }
0xa9: {  	v27 =	vor.u32 v2, v15;
	v25 =	vld [tilespmem:s8+$0xFFFFF060];
	[tilespmem:v26+s22+$0x0] =	vst.idx.msk $0xffff, v24  }
0xaa: {  	v26 =	vor.u32 v2, v14;
	v24 =	vld [tilespmem:s8+$0xFFFFF020];
	[tilespmem:v23+s22+$0x0] =	vst.idx.msk $0xffff, v22  }
0xab: {  	v18 =	vor.u32 v2, v17;
	v11 =	vld [tilespmem:s8+$0xFFFFF040];
	[tilespmem:v20+s22+$0x0] =	vst.idx.msk $0xffff, v19  }
0xac: {  	v22 =	vor.u32 v5, v12;
	[tilespmem:v21+s22+$0x0] =	vst.idx.msk $0xffff, v10;
	v21 =	vld [tilespmem:s0+$0x50]  }
0xad: {  	v19 =	vor.u32 v3, v16;
	v10 =	vld [tilespmem:s8+$0xFFFFF010]  }
0xae: {  	v13 =	vor.u32 v7, v13;
	[tilespmem:v27+s22+$0x0] =	vst.idx.msk $0xffff, v25;
	v20 =	vld [tilespmem:s0+$0x1070]  }
0xaf: {  	v27 =	vor.u32 v3, v15;
	v25 =	vld [tilespmem:s8+$0xFFFFF070];
	[tilespmem:v26+s22+$0x0] =	vst.idx.msk $0xffff, v24  }
0xb0: {  	v26 =	vor.u32 v3, v14;
	[tilespmem:v18+s22+$0x0] =	vst.idx.msk $0xffff, v11;
	v24 =	vld [tilespmem:s8+$0xFFFFF030]  }
0xb1: {  	v18 =	vor.u32 v3, v17;
	v11 =	vld [tilespmem:s8+$0xFFFFF050];
	[tilespmem:v22+s22+$0x0] =	vst.idx.msk $0xffff, v21  }
0xb2: {  	[tilespmem:v19+s22+$0x0] =	vst.idx.msk $0xffff, v10  }
0xb3: {  	[tilespmem:v13+s22+$0x0] =	vst.idx.msk $0xffff, v20;
	v19 =	vld [tilespmem:s0+$0x1020];
	v20 =	vor.u32 v6, v9  }
0xb4: {  	v22 =	vor.u32 v6, v12;
	[tilespmem:v27+s22+$0x0] =	vst.idx.msk $0xffff, v25;
	v21 =	vld [tilespmem:s0+$0x1040]  }
0xb5: {  	v25 =	vor.u32 v4, v15;
	v23 =	vld [tilespmem:s8+$0x60];
	[tilespmem:v26+s22+$0x0] =	vst.idx.msk $0xffff, v24  }
0xb6: {  	[tilespmem:v18+s22+$0x0] =	vst.idx.msk $0xffff, v11;
	v13 =	vld [tilespmem:s8+$0x0];
	v18 =	vor.u32 v4, v16  }
0xb7: {  	v26 =	vor.u32 v4, v14;
	v24 =	vld [tilespmem:s8+$0x20]  }
0xb8: {  	v11 =	vor.u32 v4, v17;
	v10 =	vld [tilespmem:s8+$0x40];
	[tilespmem:v20+s22+$0x0] =	vst.idx.msk $0xffff, v19  }
0xb9: {  	[tilespmem:v22+s22+$0x0] =	vst.idx.msk $0xffff, v21  }
0xba: {  	v9 =	vor.u32 v7, v9;
	[tilespmem:v25+s22+$0x0] =	vst.idx.msk $0xffff, v23;
	v21 =	vld [tilespmem:s0+$0x1030]  }
0xbb: {  	v25 =	vor.u32 v5, v15;
	[tilespmem:v18+s22+$0x0] =	vst.idx.msk $0xffff, v13;
	v23 =	vld [tilespmem:s8+$0x70]  }
0xbc: {  	v20 =	vor.u32 v5, v16;
	[tilespmem:v26+s22+$0x0] =	vst.idx.msk $0xffff, v24;
	v19 =	vld [tilespmem:s8+$0x10]  }
0xbd: {  	[tilespmem:v11+s22+$0x0] =	vst.idx.msk $0xffff, v10;
	v11 =	vor.u32 v5, v14;
	v10 =	vld [tilespmem:s8+$0x30]  }
0xbe: {  	v18 =	vor.u32 v5, v17;
	v13 =	vld [tilespmem:s8+$0x50]  }
0xbf: {  	v24 =	vld [tilespmem:s0+$0x1000];
	v26 =	vor.u32 v6, v8;
	[tilespmem:v9+s22+$0x0] =	vst.idx.msk $0xffff, v21  }
0xc0: {  	v12 =	vor.u32 v7, v12;
	v9 =	vld [tilespmem:s0+$0x1050];
	[tilespmem:v25+s22+$0x0] =	vst.idx.msk $0xffff, v23  }
0xc1: {  	v23 =	vor.u32 v6, v15;
	[tilespmem:v20+s22+$0x0] =	vst.idx.msk $0xffff, v19;
	v22 =	vld [tilespmem:s8+$0x1060]  }
0xc2: {  	v20 =	vor.u32 v6, v16;
	[tilespmem:v11+s22+$0x0] =	vst.idx.msk $0xffff, v10;
	v19 =	vld [tilespmem:s8+$0x1000]  }
0xc3: {  	v11 =	vor.u32 v6, v14;
	[tilespmem:v18+s22+$0x0] =	vst.idx.msk $0xffff, v13;
	v10 =	vld [tilespmem:s8+$0x1020]  }
0xc4: {  	[tilespmem:v26+s22+$0x0] =	vst.idx.msk $0xffff, v24;
	v18 =	vor.u32 v6, v17;
	v13 =	vld [tilespmem:s8+$0x1040]  }
0xc5: {  	[tilespmem:v12+s22+$0x0] =	vst.idx.msk $0xffff, v9  }
0xc6: {  	v8 =	vor.u32 v7, v8;
	v21 =	vld [tilespmem:s0+$0x1010];
	[tilespmem:v23+s22+$0x0] =	vst.idx.msk $0xffff, v22  }
0xc7: {  	v15 =	vor.u32 v7, v15;
	[tilespmem:v20+s22+$0x0] =	vst.idx.msk $0xffff, v19;
	v22 =	vld [tilespmem:s8+$0x1070]  }
0xc8: {  	v12 =	vor.u32 v7, v16;
	[tilespmem:v11+s22+$0x0] =	vst.idx.msk $0xffff, v10;
	v9 =	vld [tilespmem:s8+$0x1010]  }
0xc9: {  	[tilespmem:v18+s22+$0x0] =	vst.idx.msk $0xffff, v13;
	v11 =	vor.u32 v7, v14;
	v10 =	vld [tilespmem:s8+$0x1030]  }
0xca: {  	v14 =	vor.u32 v7, v17;
	v13 =	vld [tilespmem:s8+$0x1050]  }
0xcb: {  	s15 =	sadd.s32 s9, s1;
	[tilespmem:v8+s22+$0x0] =	vst.idx.msk $0xffff, v21  }
0xcc: {  	s16 =	sshll.u32 s15, $0x6;
	[tilespmem:v15+s22+$0x0] =	vst.idx.msk $0xffff, v22  }
0xcd: {  	s0 =	sshll.u32 s15, $0xB;
	s8 =	sand.u32 $0x780, s16;
	[tilespmem:v12+s22+$0x0] =	vst.idx.msk $0xffff, v9  }
0xce: {  	s0 =	sand.u32 $0xFFF0000, s0;
	s8 =	sadd.s32 s2, s8;
	[tilespmem:v11+s22+$0x0] =	vst.idx.msk $0xffff, v10  }
0xcf: {  	p1 =	seq.s32 s31, $0x18;
	s0 =	sadd.s32 s0, s8;
	[tilespmem:v14+s22+$0x0] =	vst.idx.msk $0xffff, v13  }
0xd0: {  	[hbm4b:s0+s23] =	stream.strided.scatter [tilespmem:s22], [sflag:$0x3], $0x4000, s24, s23, $0x38;
	[tilespmem:$0x11900] =	vst v63  }
0xd1: {  	s0 =	sshll.u32 @!p1 s31, $0x8  }
0xd2: {  	s0 =	sand.u32 @!p1 $0x3FFFFF00, s0  }
0xd3: {  	s13 =	simm.s32 @!p1 $0x1900;
	s8 =	simm.s32 @!p1 $0x80;
	s0 =	sadd.s32 @!p1 $0x100, s0  }
0xd4: {  	[tilespmem:s13], [sflag:$0x1] =	stream.indirect.gather @!p1 [hbm4b:s4+s8], $0x20, s0, s8, $0xb8;
	[tilespmem:$0x11900] =	vst v63  }
0xd5: {  	s13 =	simm.s32 @!p1 $0x2900  }
0xd6: {  	[tilespmem:s13], [sflag:$0x1] =	stream.indirect.gather @!p1 [hbm4b:s5+s8], $0x20, s0, s8, $0xb8;
	[tilespmem:$0x11900] =	vst v63  }
0xd7: {  	s13 =	simm.s32 @!p1 $0x3900  }
0xd8: {  	[tilespmem:s13], [sflag:$0x1] =	stream.indirect.gather @!p1 [hbm4b:s6+s8], $0x20, s0, s8, $0xb8;
	[tilespmem:$0x11900] =	vst v63  }
0xd9: {  	s13 =	simm.s32 @!p1 $0x4900  }
0xda: {  	[tilespmem:s13], [sflag:$0x1] =	stream.indirect.gather @!p1 [hbm4b:s7+s8], $0x20, s0, s8, $0xb8;
	[tilespmem:$0x11900] =	vst v63  }
0xdb: {  	_ =	swait.ge [sflag:s25], $0x1000  }
0xdc: {  	[sflag:s25] =	ssyncset.done $0x0  }
0xdd: {  	[sflag:s25] =	ssyncadd.s32 $0xFFFFF000  }
0xde: {  	_ =	swait.ge [sflag:s25], $0x1000  }
0xdf: {  	[sflag:s25] =	ssyncset.done $0x0  }
0xe0: {  	[sflag:s25] =	ssyncadd.s32 $0xFFFFF000  }
0xe1: {  	_ =	swait.ge [sflag:s25], $0x1000  }
0xe2: {  	[sflag:s25] =	ssyncset.done $0x0  }
0xe3: {  	[sflag:s25] =	ssyncadd.s32 $0xFFFFF000  }
0xe4: {  	s13 =	simm.s32 $0x3;
	_ =	swait.ge [sflag:s25], $0x1000  }
0xe5: {  	v8 =	vmov s13;
	[sflag:s25] =	ssyncset.done $0x0  }
0xe6: {  	s15 =	simm.s32 $0x1;
	s8 =	simm.s32 @!p0 $0x4;
	v8 =	vand.u32 $0x7F, v8;
	[sflag:s25] =	ssyncadd.s32 $0xFFFFF000  }
0xe7: {  	s14 =	simm.s32 $0x0;
	v15 =	vbroadcast v8, $0x0;
	v8 =	vmov s15;
	_ =	swait.ge @!p0 [sflag:s8], $0x4000  }
0xe8: {  	s16 =	simm.s32 $0x2;
	v9 =	vmov s14;
	v8 =	vand.u32 $0x7D, v8;
	[sflag:s8] =	ssyncset.done @!p0 $0x0  }
0xe9: {  	v9 =	vand.u32 $0x7C, v9;
	v11 =	vmov s16;
	s13 =	simm.s32 $0x8970;
	v14 =	vbroadcast v8, $0x0;
	[sflag:s8] =	ssyncadd.s32 @!p0 $0xFFFFC000  }
0xea: {  	v10 =	vbroadcast v9, $0x0;
	v12 =	vor.u32 v0, v15;
	v8 =	vand.u32 $0x7E, v11;
	v9 =	vld [tilespmem:s13+$0xFFFFCFF0]  }
0xeb: {  	v11 =	vbroadcast v8, $0x0;
	v17 =	vor.u32 v0, v14;
	v8 =	vld [tilespmem:s13+$0xFFFFCFB0]  }
0xec: {  	v16 =	vor.u32 v0, v10;
	v13 =	vld [tilespmem:s13+$0xFFFFCF90];
	_ =	sdelay $0x1  }
0xed: {  	v19 =	vor.u32 v0, v11;
	v18 =	vld [tilespmem:s13+$0xFFFFCFD0]  }
0xee: {  	[tilespmem:v12+s26+$0x0] =	vst.idx.msk $0xffff, v9  }
0xef: {  	v12 =	vor.u32 v1, v15;
	[tilespmem:v17+s26+$0x0] =	vst.idx.msk $0xffff, v8;
	v9 =	vld [tilespmem:s13+$0xFFFFD000]  }
0xf0: {  	[tilespmem:v16+s26+$0x0] =	vst.idx.msk $0xffff, v13;
	v17 =	vor.u32 v1, v14;
	v8 =	vld [tilespmem:s13+$0xFFFFCFC0]  }
0xf1: {  	v16 =	vor.u32 v1, v10;
	v13 =	vld [tilespmem:s13+$0xFFFFCFA0]  }
0xf2: {  	[tilespmem:v19+s26+$0x0] =	vst.idx.msk $0xffff, v18  }
0xf3: {  	v19 =	vor.u32 v1, v11;
	v18 =	vld [tilespmem:s13+$0xFFFFCFE0]  }
0xf4: {  	[tilespmem:v12+s26+$0x0] =	vst.idx.msk $0xffff, v9  }
0xf5: {  	v12 =	vor.u32 v2, v15;
	[tilespmem:v17+s26+$0x0] =	vst.idx.msk $0xffff, v8;
	v9 =	vld [tilespmem:s13+$0xFFFFDFF0]  }
0xf6: {  	[tilespmem:v16+s26+$0x0] =	vst.idx.msk $0xffff, v13;
	v17 =	vor.u32 v2, v14;
	v8 =	vld [tilespmem:s13+$0xFFFFDFB0]  }
0xf7: {  	v16 =	vor.u32 v2, v10;
	v13 =	vld [tilespmem:s13+$0xFFFFDF90]  }
0xf8: {  	[tilespmem:v19+s26+$0x0] =	vst.idx.msk $0xffff, v18  }
0xf9: {  	v19 =	vor.u32 v2, v11;
	v18 =	vld [tilespmem:s13+$0xFFFFDFD0]  }
0xfa: {  	[tilespmem:v12+s26+$0x0] =	vst.idx.msk $0xffff, v9  }
0xfb: {  	v12 =	vor.u32 v3, v15;
	[tilespmem:v17+s26+$0x0] =	vst.idx.msk $0xffff, v8;
	v9 =	vld [tilespmem:s13+$0xFFFFE000]  }
0xfc: {  	[tilespmem:v16+s26+$0x0] =	vst.idx.msk $0xffff, v13;
	v17 =	vor.u32 v3, v14;
	v8 =	vld [tilespmem:s13+$0xFFFFDFC0]  }
0xfd: {  	v16 =	vor.u32 v3, v10;
	v13 =	vld [tilespmem:s13+$0xFFFFDFA0]  }
0xfe: {  	[tilespmem:v19+s26+$0x0] =	vst.idx.msk $0xffff, v18  }
0xff: {  	v19 =	vor.u32 v3, v11;
	v18 =	vld [tilespmem:s13+$0xFFFFDFE0]  }
0x100: {  	[tilespmem:v12+s26+$0x0] =	vst.idx.msk $0xffff, v9  }
0x101: {  	s14 =	simm.s32 $0x7;
	v12 =	vor.u32 v4, v15;
	[tilespmem:v17+s26+$0x0] =	vst.idx.msk $0xffff, v8;
	v9 =	vld [tilespmem:s13+$0xFFFFEFF0]  }
0x102: {  	s8 =	simm.s32 $0x4;
	[tilespmem:v16+s26+$0x0] =	vst.idx.msk $0xffff, v13;
	v17 =	vor.u32 v4, v14;
	v13 =	vmov s14;
	v21 =	vld [tilespmem:s13+$0xFFFFEFB0]  }
0x103: {  	v20 =	vor.u32 v4, v10;
	v8 =	vmov s8;
	v16 =	vld [tilespmem:s13+$0xFFFFEF90];
	v13 =	vand.u32 $0x7F, v13  }
0x104: {  	[tilespmem:v19+s26+$0x0] =	vst.idx.msk $0xffff, v18;
	v8 =	vand.u32 $0x7C, v8;
	v13 =	vbroadcast v13, $0x0  }
0x105: {  	s0 =	simm.s32 $0x89F0;
	v18 =	vor.u32 v4, v11;
	v19 =	vld [tilespmem:s13+$0xFFFFEFD0];
	v8 =	vbroadcast v8, $0x0  }
0x106: {  	s15 =	simm.s32 $0x5;
	v24 =	vld [tilespmem:s0+$0xFFFFCFF0];
	v25 =	vor.u32 v0, v13;
	[tilespmem:v12+s26+$0x0] =	vst.idx.msk $0xffff, v9  }
0x107: {  	s16 =	simm.s32 $0x6;
	v22 =	vmov s15;
	[tilespmem:v17+s26+$0x0] =	vst.idx.msk $0xffff, v21;
	v17 =	vld [tilespmem:s0+$0xFFFFCF90];
	v21 =	vor.u32 v0, v8  }
0x108: {  	v12 =	vmov s16;
	[tilespmem:v20+s26+$0x0] =	vst.idx.msk $0xffff, v16;
	v20 =	vor.u32 v5, v15;
	v9 =	vand.u32 $0x7D, v22;
	v16 =	vld [tilespmem:s13+$0xFFFFF000]  }
0x109: {  	v23 =	vor.u32 v5, v10;
	v22 =	vld [tilespmem:s13+$0xFFFFEFA0];
	v9 =	vbroadcast v9, $0x0;
	v12 =	vand.u32 $0x7E, v12  }
0x10a: {  	[tilespmem:v18+s26+$0x0] =	vst.idx.msk $0xffff, v19;
	v12 =	vbroadcast v12, $0x0  }
0x10b: {  	v18 =	vld [tilespmem:s0+$0xFFFFCFB0];
	v19 =	vor.u32 v0, v9;
	[tilespmem:v25+s26+$0x0] =	vst.idx.msk $0xffff, v24  }
0x10c: {  	v26 =	vld [tilespmem:s0+$0xFFFFCFD0];
	v27 =	vor.u32 v0, v12;
	[tilespmem:v21+s26+$0x0] =	vst.idx.msk $0xffff, v17  }
0x10d: {  	v17 =	vld [tilespmem:s0+$0xFFFFD000];
	v21 =	vor.u32 v1, v13;
	[tilespmem:v20+s26+$0x0] =	vst.idx.msk $0xffff, v16  }
0x10e: {  	[tilespmem:v23+s26+$0x0] =	vst.idx.msk $0xffff, v22;
	v22 =	vld [tilespmem:s13+$0xFFFFEFC0];
	v23 =	vor.u32 v5, v14  }
0x10f: {  	v20 =	vor.u32 v6, v15;
	v16 =	vld [tilespmem:s13+$0xFFFFFFF0]  }
0x110: {  	v25 =	vor.u32 v1, v8;
	v24 =	vld [tilespmem:s0+$0xFFFFCFA0];
	[tilespmem:v19+s26+$0x0] =	vst.idx.msk $0xffff, v18  }
0x111: {  	v19 =	vor.u32 v1, v9;
	v18 =	vld [tilespmem:s0+$0xFFFFCFC0];
	[tilespmem:v27+s26+$0x0] =	vst.idx.msk $0xffff, v26  }
0x112: {  	v27 =	vor.u32 v1, v12;
	v26 =	vld [tilespmem:s0+$0xFFFFCFE0];
	[tilespmem:v21+s26+$0x0] =	vst.idx.msk $0xffff, v17  }
0x113: {  	[tilespmem:v23+s26+$0x0] =	vst.idx.msk $0xffff, v22;
	v21 =	vld [tilespmem:s0+$0xFFFFDFF0];
	v22 =	vor.u32 v2, v13  }
0x114: {  	v17 =	vld [tilespmem:s13+$0xFFFFEFE0];
	[tilespmem:v20+s26+$0x0] =	vst.idx.msk $0xffff, v16;
	v20 =	vor.u32 v5, v11  }
0x115: {  	v15 =	vor.u32 v7, v15;
	[tilespmem:v25+s26+$0x0] =	vst.idx.msk $0xffff, v24;
	v16 =	vld [tilespmem:s13+$0x0]  }
0x116: {  	v24 =	vor.u32 v2, v8;
	v23 =	vld [tilespmem:s0+$0xFFFFDF90];
	[tilespmem:v19+s26+$0x0] =	vst.idx.msk $0xffff, v18  }
0x117: {  	v19 =	vor.u32 v2, v9;
	v18 =	vld [tilespmem:s0+$0xFFFFDFB0];
	[tilespmem:v27+s26+$0x0] =	vst.idx.msk $0xffff, v26  }
0x118: {  	v26 =	vor.u32 v2, v12;
	v25 =	vld [tilespmem:s0+$0xFFFFDFD0];
	[tilespmem:v22+s26+$0x0] =	vst.idx.msk $0xffff, v21  }
0x119: {  	v22 =	vor.u32 v3, v13;
	[tilespmem:v20+s26+$0x0] =	vst.idx.msk $0xffff, v17;
	v21 =	vld [tilespmem:s0+$0xFFFFE000]  }
0x11a: {  	[tilespmem:v15+s26+$0x0] =	vst.idx.msk $0xffff, v16;
	v15 =	vld [tilespmem:s13+$0xFFFFFFB0];
	v16 =	vor.u32 v6, v14  }
0x11b: {  	v20 =	vor.u32 v6, v11;
	[tilespmem:v24+s26+$0x0] =	vst.idx.msk $0xffff, v23;
	v17 =	vld [tilespmem:s13+$0xFFFFFFD0]  }
0x11c: {  	v24 =	vor.u32 v3, v8;
	v23 =	vld [tilespmem:s0+$0xFFFFDFA0];
	[tilespmem:v19+s26+$0x0] =	vst.idx.msk $0xffff, v18  }
0x11d: {  	v27 =	vor.u32 v3, v9;
	v18 =	vld [tilespmem:s0+$0xFFFFDFC0];
	[tilespmem:v26+s26+$0x0] =	vst.idx.msk $0xffff, v25  }
0x11e: {  	v63 =	vor.u32 v3, v12;
	v26 =	vld [tilespmem:s0+$0xFFFFDFE0];
	[tilespmem:v22+s26+$0x0] =	vst.idx.msk $0xffff, v21  }
0x11f: {  	v29 =	vor.u32 v6, v10;
	[tilespmem:v16+s26+$0x0] =	vst.idx.msk $0xffff, v15;
	v15 =	vld [tilespmem:s13+$0xFFFFFF90]  }
0x120: {  	v25 =	vor.u32 v7, v14;
	[tilespmem:v20+s26+$0x0] =	vst.idx.msk $0xffff, v17;
	v17 =	vld [tilespmem:s13+$0xFFFFFFC0]  }
0x121: {  	[tilespmem:v24+s26+$0x0] =	vst.idx.msk $0xffff, v23;
	v16 =	vld [tilespmem:s0+$0xFFFFEFF0];
	v24 =	vor.u32 v4, v13  }
0x122: {  	v23 =	vor.u32 v4, v8;
	v19 =	vld [tilespmem:s0+$0xFFFFEF90];
	[tilespmem:v27+s26+$0x0] =	vst.idx.msk $0xffff, v18  }
0x123: {  	s14 =	simm.s32 $0x8;
	v20 =	vor.u32 v4, v9;
	v18 =	vld [tilespmem:s0+$0xFFFFEFB0];
	[tilespmem:v63+s26+$0x0] =	vst.idx.msk $0xffff, v26  }
0x124: {  	s1 =	sor.u32 $0x1, s1;
	s15 =	simm.s32 $0xC;
	s16 =	simm.s32 $0xB;
	v22 =	vor.u32 v4, v12;
	v26 =	vmov s14;
	v21 =	vld [tilespmem:s0+$0xFFFFEFD0];
	[tilespmem:v29+s26+$0x0] =	vst.idx.msk $0xffff, v15  }
.LBB2_5:
0x125: {  	p0 =	slt.u32 s15, $0x7C;
	v14 =	vand.u32 $0x7C, v26;
	s8 =	sadd.s32 $0x1, s14;
	v15 =	vmov s16;
	[tilespmem:v25+s26+$0x0] =	vst.idx.msk $0xffff, v17;
	v17 =	vld [tilespmem:s13+$0xFFFFFFE0];
	v25 =	vor.u32 v7, v11;
	v11 =	vmovc v12  }
0x126: {  	v12 =	vmov s8;
	s8 =	sadd.s32 $0x2, s14;
	v15 =	vand.u32 $0x7F, v15;
	[tilespmem:v24+s26+$0x0] =	vst.idx.msk $0xffff, v16;
	v16 =	vld [tilespmem:s13+$0xFFFFFFA0];
	v24 =	vor.u32 v7, v10;
	v10 =	vmovc v8;
	s13 =	smov.u32 s0;
	s14 =	smov.u32 s15  }
0x127: {  	v26 =	vmov s8;
	v15 =	vbroadcast v15, $0x0;
	[tilespmem:v23+s26+$0x0] =	vst.idx.msk $0xffff, v19;
	v19 =	vld [tilespmem:s0+$0xFFFFF000];
	v23 =	vor.u32 v5, v13  }
0x128: {  	v8 =	vbroadcast v14, $0x0;
	v12 =	vand.u32 $0x7D, v12;
	v27 =	vor.u32 v5, v10;
	s0 =	sadd.s32 $0x80, s0;
	v14 =	vld [tilespmem:s13+$0xFFFFEFA0];
	[tilespmem:v20+s26+$0x0] =	vst.idx.msk $0xffff, v18  }
0x129: {  	v18 =	vbroadcast v12, $0x0;
	v12 =	vand.u32 $0x7E, v26;
	v20 =	vld [tilespmem:s0+$0xFFFFCFF0];
	v26 =	vor.u32 v0, v15;
	[tilespmem:v22+s26+$0x0] =	vst.idx.msk $0xffff, v21  }
0x12a: {  	v22 =	vor.u32 v0, v8;
	v12 =	vbroadcast v12, $0x0;
	v21 =	vld [tilespmem:s0+$0xFFFFCF90];
	[tilespmem:v25+s26+$0x0] =	vst.idx.msk $0xffff, v17  }
0x12b: {  	v25 =	vor.u32 v0, v18;
	v17 =	vld [tilespmem:s0+$0xFFFFCFB0];
	[tilespmem:v24+s26+$0x0] =	vst.idx.msk $0xffff, v16  }
0x12c: {  	v24 =	vor.u32 v0, v12;
	v16 =	vld [tilespmem:s0+$0xFFFFCFD0];
	[tilespmem:v23+s26+$0x0] =	vst.idx.msk $0xffff, v19  }
0x12d: {  	v19 =	vor.u32 v6, v13;
	[tilespmem:v27+s26+$0x0] =	vst.idx.msk $0xffff, v14;
	v14 =	vld [tilespmem:s13+$0xFFFFFFF0]  }
0x12e: {  	v23 =	vor.u32 v5, v9;
	[tilespmem:v26+s26+$0x0] =	vst.idx.msk $0xffff, v20;
	v20 =	vld [tilespmem:s13+$0xFFFFEFC0]  }
0x12f: {  	[tilespmem:v22+s26+$0x0] =	vst.idx.msk $0xffff, v21;
	v21 =	vld [tilespmem:s0+$0xFFFFD000];
	v22 =	vor.u32 v1, v15  }
0x130: {  	v27 =	vor.u32 v1, v8;
	v26 =	vld [tilespmem:s0+$0xFFFFCFA0];
	[tilespmem:v25+s26+$0x0] =	vst.idx.msk $0xffff, v17  }
0x131: {  	v25 =	vor.u32 v1, v18;
	v17 =	vld [tilespmem:s0+$0xFFFFCFC0];
	[tilespmem:v24+s26+$0x0] =	vst.idx.msk $0xffff, v16  }
0x132: {  	v24 =	vor.u32 v1, v12;
	v16 =	vld [tilespmem:s0+$0xFFFFCFE0];
	[tilespmem:v19+s26+$0x0] =	vst.idx.msk $0xffff, v14  }
0x133: {  	v19 =	vor.u32 v7, v13;
	v13 =	vmov v15;
	[tilespmem:v23+s26+$0x0] =	vst.idx.msk $0xffff, v20;
	v14 =	vld [tilespmem:s13+$0x0]  }
0x134: {  	v20 =	vor.u32 v5, v11;
	[tilespmem:v22+s26+$0x0] =	vst.idx.msk $0xffff, v21;
	v15 =	vld [tilespmem:s13+$0xFFFFEFE0]  }
0x135: {  	v22 =	vor.u32 v2, v13;
	[tilespmem:v27+s26+$0x0] =	vst.idx.msk $0xffff, v26;
	v21 =	vld [tilespmem:s0+$0xFFFFDFF0]  }
0x136: {  	v26 =	vor.u32 v2, v8;
	v23 =	vld [tilespmem:s0+$0xFFFFDF90];
	[tilespmem:v25+s26+$0x0] =	vst.idx.msk $0xffff, v17  }
0x137: {  	v25 =	vor.u32 v2, v18;
	v17 =	vld [tilespmem:s0+$0xFFFFDFB0];
	[tilespmem:v24+s26+$0x0] =	vst.idx.msk $0xffff, v16  }
0x138: {  	v24 =	vor.u32 v2, v12;
	v16 =	vld [tilespmem:s0+$0xFFFFDFD0];
	[tilespmem:v19+s26+$0x0] =	vst.idx.msk $0xffff, v14  }
0x139: {  	v19 =	vor.u32 v6, v9;
	v14 =	vld [tilespmem:s13+$0xFFFFFFB0];
	[tilespmem:v20+s26+$0x0] =	vst.idx.msk $0xffff, v15  }
0x13a: {  	v20 =	vor.u32 v6, v11;
	[tilespmem:v22+s26+$0x0] =	vst.idx.msk $0xffff, v21;
	v15 =	vld [tilespmem:s13+$0xFFFFFFD0]  }
0x13b: {  	v22 =	vor.u32 v3, v13;
	[tilespmem:v26+s26+$0x0] =	vst.idx.msk $0xffff, v23;
	v21 =	vld [tilespmem:s0+$0xFFFFE000]  }
0x13c: {  	v26 =	vor.u32 v3, v8;
	v23 =	vld [tilespmem:s0+$0xFFFFDFA0];
	[tilespmem:v25+s26+$0x0] =	vst.idx.msk $0xffff, v17  }
0x13d: {  	v28 =	vor.u32 v3, v18;
	v27 =	vld [tilespmem:s0+$0xFFFFDFC0];
	[tilespmem:v24+s26+$0x0] =	vst.idx.msk $0xffff, v16  }
0x13e: {  	v30 =	vor.u32 v3, v12;
	v29 =	vld [tilespmem:s0+$0xFFFFDFE0];
	[tilespmem:v19+s26+$0x0] =	vst.idx.msk $0xffff, v14  }
0x13f: {  	v31 =	vor.u32 v6, v10;
	v14 =	vld [tilespmem:s13+$0xFFFFFF90];
	[tilespmem:v20+s26+$0x0] =	vst.idx.msk $0xffff, v15  }
.Ltmp3:
0x140: {  	v25 =	vor.u32 v7, v9;
	v9 =	vmov v18;
	[tilespmem:v22+s26+$0x0] =	vst.idx.msk $0xffff, v21;
	v17 =	vld [tilespmem:s13+$0xFFFFFFC0];
	(pc) =	sbr.rel @p0 .LBB2_5-.Ltmp3, $4  }
0x141: {  	v24 =	vor.u32 v4, v13;
	[tilespmem:v26+s26+$0x0] =	vst.idx.msk $0xffff, v23;
	v16 =	vld [tilespmem:s0+$0xFFFFEFF0]  }
0x142: {  	v23 =	vor.u32 v4, v8;
	v19 =	vld [tilespmem:s0+$0xFFFFEF90];
	[tilespmem:v28+s26+$0x0] =	vst.idx.msk $0xffff, v27  }
0x143: {  	v20 =	vor.u32 v4, v9;
	v18 =	vld [tilespmem:s0+$0xFFFFEFB0];
	[tilespmem:v30+s26+$0x0] =	vst.idx.msk $0xffff, v29  }
0x144: {  	s15 =	sadd.s32 $0x4, s15;
	s16 =	sadd.s32 $0x3, s14;
	v22 =	vor.u32 v4, v12;
	v26 =	vmov s14;
	v21 =	vld [tilespmem:s0+$0xFFFFEFD0];
	[tilespmem:v31+s26+$0x0] =	vst.idx.msk $0xffff, v14  }
0x145: {  	_ =	sdelay $0x2  }
0x146: {  	s8 =	sadd.s32 $0x1, s14;
	v14 =	vmov s16;
	v26 =	vand.u32 $0x7C, v26  }
0x147: {  	s14 =	sadd.s32 $0x2, s14;
	v27 =	vmov s8;
	v14 =	vand.u32 $0x7F, v14;
	[tilespmem:v24+s26+$0x0] =	vst.idx.msk $0xffff, v16;
	v16 =	vbroadcast v26, $0x0  }
0x148: {  	s15 =	sadd.s32 $0x80, s0;
	v28 =	vmov s14;
	v15 =	vbroadcast v14, $0x0;
	v60 =	vand.u32 $0x7D, v27  }
0x149: {  	v34 =	vld [tilespmem:s15+$0xFFFFCF90];
	v61 =	vand.u32 $0x7E, v28;
	v14 =	vbroadcast v60, $0x0;
	v35 =	vor.u32 v0, v16  }
0x14a: {  	[tilespmem:v25+s26+$0x0] =	vst.idx.msk $0xffff, v17;
	v62 =	vld [tilespmem:s15+$0xFFFFCFF0];
	v17 =	vbroadcast v61, $0x0;
	v63 =	vor.u32 v0, v15  }
0x14b: {  	v30 =	vld [tilespmem:s15+$0xFFFFCFB0];
	[tilespmem:v23+s26+$0x0] =	vst.idx.msk $0xffff, v19;
	v31 =	vor.u32 v0, v14  }
0x14c: {  	v32 =	vld [tilespmem:s15+$0xFFFFCFD0];
	[tilespmem:v20+s26+$0x0] =	vst.idx.msk $0xffff, v18;
	v33 =	vor.u32 v0, v17  }
0x14d: {  	v36 =	vld [tilespmem:s13+$0xFFFFFFE0];
	v11 =	vor.u32 v7, v11;
	[tilespmem:v22+s26+$0x0] =	vst.idx.msk $0xffff, v21  }
0x14e: {  	v37 =	vld [tilespmem:s13+$0xFFFFFFA0];
	v10 =	vor.u32 v7, v10;
	[tilespmem:v35+s26+$0x0] =	vst.idx.msk $0xffff, v34  }
0x14f: {  	v43 =	vor.u32 v1, v16;
	[tilespmem:v63+s26+$0x0] =	vst.idx.msk $0xffff, v62;
	v42 =	vld [tilespmem:s15+$0xFFFFCFA0]  }
0x150: {  	v38 =	vor.u32 v1, v15;
	v25 =	vld [tilespmem:s15+$0xFFFFD000];
	[tilespmem:v31+s26+$0x0] =	vst.idx.msk $0xffff, v30  }
0x151: {  	v39 =	vor.u32 v1, v14;
	[tilespmem:v33+s26+$0x0] =	vst.idx.msk $0xffff, v32;
	v24 =	vld [tilespmem:s15+$0xFFFFCFC0]  }
0x152: {  	v41 =	vor.u32 v1, v17;
	[tilespmem:v11+s26+$0x0] =	vst.idx.msk $0xffff, v36;
	v40 =	vld [tilespmem:s15+$0xFFFFCFE0]  }
0x153: {  	v45 =	vor.u32 v5, v13;
	v44 =	vld [tilespmem:s0+$0xFFFFF000];
	[tilespmem:v10+s26+$0x0] =	vst.idx.msk $0xffff, v37  }
0x154: {  	v47 =	vor.u32 v5, v8;
	v46 =	vld [tilespmem:s0+$0xFFFFEFA0];
	[tilespmem:v43+s26+$0x0] =	vst.idx.msk $0xffff, v42  }
0x155: {  	v53 =	vor.u32 v2, v16;
	[tilespmem:v38+s26+$0x0] =	vst.idx.msk $0xffff, v25;
	v52 =	vld [tilespmem:s15+$0xFFFFDF90]  }
0x156: {  	v48 =	vor.u32 v2, v15;
	v25 =	vld [tilespmem:s15+$0xFFFFDFF0];
	[tilespmem:v39+s26+$0x0] =	vst.idx.msk $0xffff, v24  }
0x157: {  	v49 =	vor.u32 v2, v14;
	[tilespmem:v41+s26+$0x0] =	vst.idx.msk $0xffff, v40;
	v24 =	vld [tilespmem:s15+$0xFFFFDFB0]  }
0x158: {  	v51 =	vor.u32 v2, v17;
	[tilespmem:v45+s26+$0x0] =	vst.idx.msk $0xffff, v44;
	v50 =	vld [tilespmem:s15+$0xFFFFDFD0]  }
0x159: {  	v57 =	vor.u32 v5, v9;
	v56 =	vld [tilespmem:s0+$0xFFFFEFC0];
	[tilespmem:v47+s26+$0x0] =	vst.idx.msk $0xffff, v46  }
0x15a: {  	v55 =	vor.u32 v6, v13;
	v54 =	vld [tilespmem:s0+$0xFFFFFFF0];
	[tilespmem:v53+s26+$0x0] =	vst.idx.msk $0xffff, v52  }
0x15b: {  	v62 =	vor.u32 v3, v16;
	[tilespmem:v48+s26+$0x0] =	vst.idx.msk $0xffff, v25;
	v61 =	vld [tilespmem:s15+$0xFFFFDFA0]  }
0x15c: {  	v58 =	vor.u32 v3, v15;
	v25 =	vld [tilespmem:s15+$0xFFFFE000];
	[tilespmem:v49+s26+$0x0] =	vst.idx.msk $0xffff, v24  }
0x15d: {  	v59 =	vor.u32 v3, v14;
	[tilespmem:v51+s26+$0x0] =	vst.idx.msk $0xffff, v50;
	v24 =	vld [tilespmem:s15+$0xFFFFDFC0]  }
0x15e: {  	v60 =	vor.u32 v3, v17;
	[tilespmem:v57+s26+$0x0] =	vst.idx.msk $0xffff, v56;
	v11 =	vld [tilespmem:s15+$0xFFFFDFE0]  }
0x15f: {  	v29 =	vld [tilespmem:s0+$0xFFFFEFE0];
	v30 =	vor.u32 v5, v12;
	[tilespmem:v55+s26+$0x0] =	vst.idx.msk $0xffff, v54  }
0x160: {  	v28 =	vor.u32 v7, v13;
	v63 =	vld [tilespmem:s0+$0x0];
	[tilespmem:v62+s26+$0x0] =	vst.idx.msk $0xffff, v61  }
0x161: {  	v37 =	vor.u32 v4, v16;
	[tilespmem:v58+s26+$0x0] =	vst.idx.msk $0xffff, v25;
	v36 =	vld [tilespmem:s15+$0xFFFFEF90]  }
0x162: {  	v32 =	vor.u32 v4, v15;
	v31 =	vld [tilespmem:s15+$0xFFFFEFF0];
	[tilespmem:v59+s26+$0x0] =	vst.idx.msk $0xffff, v24  }
0x163: {  	v33 =	vor.u32 v4, v14;
	[tilespmem:v60+s26+$0x0] =	vst.idx.msk $0xffff, v11;
	v24 =	vld [tilespmem:s15+$0xFFFFEFB0]  }
0x164: {  	v35 =	vor.u32 v4, v17;
	[tilespmem:v30+s26+$0x0] =	vst.idx.msk $0xffff, v29;
	v34 =	vld [tilespmem:s15+$0xFFFFEFD0]  }
0x165: {  	v38 =	vld [tilespmem:s0+$0xFFFFFFB0];
	v39 =	vor.u32 v6, v9;
	[tilespmem:v28+s26+$0x0] =	vst.idx.msk $0xffff, v63  }
0x166: {  	v21 =	vld [tilespmem:s0+$0xFFFFFFD0];
	v40 =	vor.u32 v6, v12;
	[tilespmem:v37+s26+$0x0] =	vst.idx.msk $0xffff, v36  }
0x167: {  	v47 =	vor.u32 v5, v16;
	[tilespmem:v32+s26+$0x0] =	vst.idx.msk $0xffff, v31;
	v46 =	vld [tilespmem:s15+$0xFFFFEFA0]  }
0x168: {  	v41 =	vor.u32 v5, v15;
	v23 =	vld [tilespmem:s15+$0xFFFFF000];
	[tilespmem:v33+s26+$0x0] =	vst.idx.msk $0xffff, v24  }
0x169: {  	v43 =	vor.u32 v5, v14;
	[tilespmem:v35+s26+$0x0] =	vst.idx.msk $0xffff, v34;
	v42 =	vld [tilespmem:s15+$0xFFFFEFC0]  }
0x16a: {  	v45 =	vor.u32 v5, v17;
	[tilespmem:v39+s26+$0x0] =	vst.idx.msk $0xffff, v38;
	v44 =	vld [tilespmem:s15+$0xFFFFEFE0]  }
0x16b: {  	v48 =	vld [tilespmem:s0+$0xFFFFFF90];
	[tilespmem:v40+s26+$0x0] =	vst.idx.msk $0xffff, v21;
	v49 =	vor.u32 v6, v8  }
0x16c: {  	v50 =	vld [tilespmem:s0+$0xFFFFFFC0];
	v51 =	vor.u32 v7, v9;
	[tilespmem:v47+s26+$0x0] =	vst.idx.msk $0xffff, v46  }
0x16d: {  	v56 =	vor.u32 v6, v16;
	[tilespmem:v41+s26+$0x0] =	vst.idx.msk $0xffff, v23;
	v19 =	vld [tilespmem:s15+$0xFFFFFF90]  }
0x16e: {  	v53 =	vor.u32 v6, v15;
	v52 =	vld [tilespmem:s15+$0xFFFFFFF0];
	[tilespmem:v43+s26+$0x0] =	vst.idx.msk $0xffff, v42  }
0x16f: {  	v54 =	vor.u32 v6, v14;
	[tilespmem:v45+s26+$0x0] =	vst.idx.msk $0xffff, v44;
	v10 =	vld [tilespmem:s15+$0xFFFFFFB0]  }
0x170: {  	v55 =	vor.u32 v6, v17;
	[tilespmem:v49+s26+$0x0] =	vst.idx.msk $0xffff, v48;
	v13 =	vld [tilespmem:s15+$0xFFFFFFD0]  }
0x171: {  	v57 =	vld [tilespmem:s0+$0xFFFFFFE0];
	[tilespmem:v51+s26+$0x0] =	vst.idx.msk $0xffff, v50;
	v58 =	vor.u32 v7, v12  }
0x172: {  	v8 =	vor.u32 v7, v8;
	v59 =	vld [tilespmem:s0+$0xFFFFFFA0];
	[tilespmem:v56+s26+$0x0] =	vst.idx.msk $0xffff, v19  }
0x173: {  	v63 =	vor.u32 v7, v16;
	[tilespmem:v53+s26+$0x0] =	vst.idx.msk $0xffff, v52;
	v62 =	vld [tilespmem:s15+$0xFFFFFFA0]  }
0x174: {  	v15 =	vor.u32 v7, v15;
	v22 =	vld [tilespmem:s15+$0x0];
	[tilespmem:v54+s26+$0x0] =	vst.idx.msk $0xffff, v10  }
0x175: {  	v60 =	vor.u32 v7, v14;
	[tilespmem:v55+s26+$0x0] =	vst.idx.msk $0xffff, v13;
	v10 =	vld [tilespmem:s15+$0xFFFFFFC0]  }
0x176: {  	v61 =	vor.u32 v7, v17;
	[tilespmem:v58+s26+$0x0] =	vst.idx.msk $0xffff, v57;
	v13 =	vld [tilespmem:s15+$0xFFFFFFE0]  }
0x177: {  	s16 =	sadd.s32 s9, s1;
	[tilespmem:v8+s26+$0x0] =	vst.idx.msk $0xffff, v59  }
.Ltmp4:
0x178: {  	s1 =	sshll.u32 s16, $0x6;
	[tilespmem:v63+s26+$0x0] =	vst.idx.msk $0xffff, v62;
	(pc) =	sbr.rel @p1 .LBB2_8-.Ltmp4, $4  }
0x179: {  	s1 =	sand.u32 $0x7C0, s1;
	s0 =	sshll.u32 s16, $0xB;
	[tilespmem:v15+s26+$0x0] =	vst.idx.msk $0xffff, v22  }
0x17a: {  	s1 =	sadd.s32 s2, s1;
	s0 =	sand.u32 $0xFFF0000, s0;
	[tilespmem:v60+s26+$0x0] =	vst.idx.msk $0xffff, v10  }
0x17b: {  	s0 =	sadd.s32 s0, s1;
	[tilespmem:v61+s26+$0x0] =	vst.idx.msk $0xffff, v13  }
0x17c: {  	[hbm4b:s0+s23] =	stream.strided.scatter [tilespmem:s26], [sflag:$0x4], $0x4000, s24, s23, $0x38;
	[tilespmem:$0x11900] =	vst v63  }
0x17d: {  	s0 =	sshll.u32 s31, $0x8  }
0x17e: {  	s0 =	sand.u32 $0x3FFFFF00, s0  }
0x17f: {  	s0 =	sadd.s32 $0x180, s0  }
0x180: {  	[tilespmem:s17], [sflag:$0x2] =	stream.indirect.gather [hbm4b:s4+s12], $0x20, s0, s12, $0xb8;
	[tilespmem:$0x11900] =	vst v63  }
0x181: {  	_ = 	snop  }
0x182: {  	[tilespmem:s18], [sflag:$0x2] =	stream.indirect.gather [hbm4b:s5+s12], $0x20, s0, s12, $0xb8;
	[tilespmem:$0x11900] =	vst v63  }
.Ltmp5:
0x183: {  	_ = 	snop;
	(pc) =	sbr.rel .LBB2_2-.Ltmp5, $4  }
0x184: {  	_ = 	snop  }
0x185: {  	[tilespmem:s19], [sflag:$0x2] =	stream.indirect.gather [hbm4b:s6+s12], $0x20, s0, s12, $0xb8;
	[tilespmem:$0x11900] =	vst v63  }
0x186: {  	s31 =	sadd.s32 $0x1, s31  }
0x187: {  	[tilespmem:s20], [sflag:$0x2] =	stream.indirect.gather [hbm4b:s7+s12], $0x20, s0, s12, $0xb8;
	[tilespmem:$0x11900] =	vst v63  }
.LBB2_9:
0x188: {  	_ =	sfence.sel $0x180000  }
0x189: {  	[bflag:$0x0] =	sbarrier.arrive $0xFFFF  }
0x18a: {  	_ =	strace $0x90000047  }
0x18b: {  	s0 =	stileid.u32;
	[bflag:$0x2] =	sbarrier.arrive $0xFFFF  }
0x18c: {  	p0 =	sne.s32 s0, $0x0;
	s0 =	rddreg [dreg:$0x2]  }
0x18d: {  	s0 =	sadd.s32 @!p0 $0x100000, s0  }
0x18e: {  	[sflag:s0] =	ssyncadd.tile.s32 @!p0 $0x1;
	_ =	shalt  }
.Lfunc_end2:
_tile_overlayer_lowered:
.L_overlay_start_2:
0x18f: {  	(tag) =	ssettag $0x2  }
0x190: {  	s0 =	rddreg [dreg:$0x0];
	s2 =	stileid.u32  }
0x191: {  	s1 =	rddreg [dreg:$0x1];
	p0 =	sne.s32 s2, $0x0  }
0x192: {  	s3 =	rddreg [dreg:$0x2];
	[bflag:$0x3] =	sbarrier.arrive $0xFFFF;
	s2 =	simm.s32 @!p0 $0x1C05  }
0x193: {  	[timem:s3], [sflag:s2] =	dma.local @!p0 [hbm:s0], s1  }
0x194: {  	s0 =	simm.s32 @!p0 $0x5  }
0x195: {  	_ =	swait.ge @!p0 [sflag:s0], s1  }
0x196: {  	s1 =	ssub.s32 @!p0 $0x0, s1;
	[sflag:s0] =	ssyncset.done @!p0 $0x0  }
0x197: {  	[sflag:s0] =	ssyncadd.s32 @!p0 s1  }
0x198: {  	[bflag:$0x3] =	sbarrier.arrive $0xFFFF  }
0x199: {  	_ =	shalt  }

</sc_bundles>
